<compile_context>
chip_gen: v7x
topology: tpu7x:2x2x1
jax: 0.10.2.dev20260603
libtpu: 0.0.44.dev20260713+nightly
codegen_flags: <defaults>
</compile_context>

<pallas_src>
import functools

import jax
import jax.numpy as jnp
from jax import lax
from jax.experimental import pallas as pl
from jax.experimental.pallas import tpu as pltpu
from jax.experimental.pallas import tpu_sc as plsc

_N = 10000
_E = 320000
_D = 128
_NC, _NS = 2, 16
_NW = _NC * _NS
_EPW = _E // _NW
_K = 160
_KT = _EPW - (_EPW // _K) * _K
_NP = 10240
_RPT = _NP // _NS
_CR = _NP // _D


def _make_sc_feat():
    mesh = plsc.VectorSubcoreMesh(core_axis_name="c", subcore_axis_name="s")

    @functools.partial(
        pl.kernel,
        mesh=mesh,
        out_type=jax.ShapeDtypeStruct((_NC * _NP, _D), jnp.float32),
        scratch_types=[
            pltpu.VMEM((_K,), jnp.int32),
            pltpu.VMEM((_K,), jnp.int32),
            pltpu.VMEM((_K,), jnp.int32),
            pltpu.VMEM((_K,), jnp.int32),
            pltpu.VMEM((_KT,), jnp.int32),
            pltpu.VMEM((_KT,), jnp.int32),
            pltpu.VMEM((_K, _D), jnp.float32),
            pltpu.VMEM((_K, _D), jnp.float32),
            pltpu.VMEM_SHARED((_NP, _D), jnp.float32),
            pltpu.SemaphoreType.DMA,
            pltpu.SemaphoreType.DMA,
        ],
        compiler_params=pltpu.CompilerParams(needs_layout_passes=False),
    )
    def sc_feat(h, src1, dst1, zeros, out,
                sidx0, didx0, sidx1, didx1, sidx_t, didx_t,
                rows0, rows1, acc, gsem, ssem):
        c = lax.axis_index("c")
        s = lax.axis_index("s")
        wid = s * _NC + c
        base = wid * _EPW
        pltpu.sync_copy(zeros.at[pl.ds(s * _RPT, _RPT)],
                        acc.at[pl.ds(s * _RPT, _RPT)])
        plsc.subcore_barrier()

        slots = ((sidx0, didx0, rows0), (sidx1, didx1, rows1))

        def load_and_gather(i, sl):
            sidx, didx, rows = slots[sl]
            off = base + i * _K
            pltpu.sync_copy(src1.at[pl.ds(off, _K)], sidx)
            pltpu.sync_copy(dst1.at[pl.ds(off, _K)], didx)
            pltpu.async_copy(h.at[sidx], rows, gsem).wait()

        def scat_start(sl):
            _, didx, rows = slots[sl]
            pltpu.async_copy(rows, acc.at[didx], ssem, add=True)

        def scat_wait(sl):
            _, didx, rows = slots[sl]
            pltpu.make_async_copy(rows, acc.at[didx], ssem).wait()

        load_and_gather(0, 0)
        scat_start(0)
        load_and_gather(1, 1)
        scat_start(1)

        def body(ii, carry):
            i0 = 2 * ii
            scat_wait(0)
            load_and_gather(i0, 0)
            scat_start(0)
            scat_wait(1)
            load_and_gather(i0 + 1, 1)
            scat_start(1)
            return carry

        lax.fori_loop(1, _EPW // _K // 2, body, 0)
        scat_wait(0)
        scat_wait(1)
        off = base + (_EPW // _K) * _K
        pltpu.sync_copy(src1.at[pl.ds(off, _KT)], sidx_t)
        pltpu.sync_copy(dst1.at[pl.ds(off, _KT)], didx_t)
        rows_t = rows0.at[pl.ds(0, _KT)]
        pltpu.async_copy(h.at[sidx_t], rows_t, gsem).wait()
        pltpu.sync_copy(rows_t, acc.at[didx_t], add=True)
        plsc.subcore_barrier()
        pltpu.sync_copy(acc.at[pl.ds(s * _RPT, _RPT)],
                        out.at[pl.ds(c * _NP + s * _RPT, _RPT)])

    return sc_feat


def _make_sc_cnt():
    mesh = plsc.VectorSubcoreMesh(core_axis_name="c", subcore_axis_name="s")

    @functools.partial(
        pl.kernel,
        mesh=mesh,
        out_type=jax.ShapeDtypeStruct((_NW * _NP,), jnp.float32),
        scratch_types=[
            pltpu.VMEM((_EPW,), jnp.int32),
            pltpu.VMEM((_NP,), jnp.float32),
        ],
        compiler_params=pltpu.CompilerParams(needs_layout_passes=False),
    )
    def sc_cnt(dst1, zcnt, out_cnt, didx, cnt):
        c = lax.axis_index("c")
        s = lax.axis_index("s")
        wid = s * _NC + c
        pltpu.sync_copy(dst1.at[pl.ds(wid * _EPW, _EPW)], didx)
        pltpu.sync_copy(zcnt, cnt)
        ones16 = jnp.ones((16,), jnp.float32)

        def body(i, carry):
            idx = didx[pl.ds(i * 16, 16)]
            plsc.addupdate_scatter(cnt, [idx], ones16)
            return carry

        lax.fori_loop(0, _EPW // 16, body, 0)
        pltpu.sync_copy(cnt, out_cnt.at[pl.ds(wid * _NP, _NP)])

    return sc_cnt


_sc_cache = {}


def _sc_call(name, maker, *args):
    if name not in _sc_cache:
        _sc_cache[name] = maker()
    return _sc_cache[name](*args)


_BR = 2048


def _tc_rcnt_body(cnts, out):
    c = jnp.sum(cnts[...], axis=0)
    out[...] = lax.reciprocal(jnp.maximum(c, 1.0))


_tc_rcnt = pl.pallas_call(
    _tc_rcnt_body,
    out_shape=jax.ShapeDtypeStruct((_CR, _D), jnp.float32),
)


def _mean_and_out(pa, pb, rc, hext, wl, bl, wr):
    p = pa[0] + pb[0]
    mean = p * rc[...]
    h = hext[...]
    o = jnp.dot(mean, wl[...], preferred_element_type=jnp.float32) + bl[...]
    o = o + jnp.dot(h, wr[...], preferred_element_type=jnp.float32)
    nrm2 = jnp.sum(o * o, axis=1, keepdims=True)
    return h, o * lax.rsqrt(jnp.maximum(nrm2, 1e-24))


def _tc_layer1_body(pa, pb, rc, hext, wl, bl, wr, out):
    _, o = _mean_and_out(pa, pb, rc, hext, wl, bl, wr)
    out[...] = jnp.maximum(o, 0.0)


def _tc_layer2_body(pa, pb, rc, hext, wl, bl, wr, wlin, blin, out):
    h, o = _mean_and_out(pa, pb, rc, hext, wl, bl, wr)
    h2 = jnp.maximum(o + h, 0.0)
    out[...] = jnp.dot(h2, wlin[...], preferred_element_type=jnp.float32) + blin[...]


_full = lambda i: (0, 0)

_layer_specs = [
    pl.BlockSpec((1, _BR, _D), lambda i: (0, i, 0)),
    pl.BlockSpec((1, _BR, _D), lambda i: (1, i, 0)),
    pl.BlockSpec((_BR, 1), lambda i: (i, 0)),
    pl.BlockSpec((_BR, _D), lambda i: (i, 0)),
    pl.BlockSpec((_D, _D), _full),
    pl.BlockSpec((1, _D), _full),
    pl.BlockSpec((_D, _D), _full),
]

_tc_layer1 = pl.pallas_call(
    _tc_layer1_body,
    grid=(_NP // _BR,),
    in_specs=list(_layer_specs),
    out_specs=pl.BlockSpec((_BR, _D), lambda i: (i, 0)),
    out_shape=jax.ShapeDtypeStruct((_NP, _D), jnp.float32),
)

_tc_layer2 = pl.pallas_call(
    _tc_layer2_body,
    grid=(_NP // _BR,),
    in_specs=list(_layer_specs) + [
        pl.BlockSpec((_D, 2), _full),
        pl.BlockSpec((1, 2), _full),
    ],
    out_specs=pl.BlockSpec((_BR, 2), lambda i: (i, 0)),
    out_shape=jax.ShapeDtypeStruct((_NP, 2), jnp.float32),
)


def kernel(x, edge_index, W1_l, b1_l, W1_r, W2_l, b2_l, W2_r, W_lin, b_lin):
    src1 = edge_index[0]
    dst1 = edge_index[1]
    zeros = jnp.zeros((_NP, _D), jnp.float32)
    zcnt = jnp.zeros((_NP,), jnp.float32)
    x_pad = jnp.concatenate([x, jnp.zeros((_NP - _N, _D), jnp.float32)], axis=0)

    p1 = _sc_call("feat", _make_sc_feat, x_pad, src1, dst1, zeros)
    c1 = _sc_call("cnt", _make_sc_cnt, dst1, zcnt)
    p1 = p1.reshape(_NC, _NP, _D)
    rc = _tc_rcnt(c1.reshape(_NW, _CR, _D)).reshape(_NP, 1)
    h1 = _tc_layer1(p1, p1, rc, x_pad, W1_l, b1_l.reshape(1, _D), W1_r)
    p2 = _sc_call("feat", _make_sc_feat, h1, src1, dst1, zeros)
    p2 = p2.reshape(_NC, _NP, _D)
    out = _tc_layer2(p2, p2, rc, h1, W2_l, b2_l.reshape(1, _D), W2_r,
                     W_lin, b_lin.reshape(1, 2))
    return out[:_N]

# --- scband reference (transcript-rebuilt; emitter-appended) ---
"""Pipeline reference for scband-graph-sage-50680614092810 (READ-ONLY COPY).

The authoritative reference and input builder live on the scoring server;
editing this copy changes nothing except your own understanding.
"""

import jax, jax.numpy as jnp
import numpy as np

N = 10000
E = 320000
D = 128
H = 128
O = 2


def setup_inputs(seed: int = 0):
    key = jax.random.key(seed)
    ks = jax.random.split(key, 12)
    x = jax.random.normal(ks[0], (N, D), dtype=jnp.float32)
    edge_index = jax.random.randint(ks[1], (2, E), 0, N, dtype=jnp.int32)
    s = 1.0 / np.sqrt(D)
    W1_l = jax.random.normal(ks[2], (D, H), dtype=jnp.float32) * s
    b1_l = jnp.zeros((H,), dtype=jnp.float32)
    W1_r = jax.random.normal(ks[3], (D, H), dtype=jnp.float32) * s
    sh = 1.0 / np.sqrt(H)
    W2_l = jax.random.normal(ks[4], (H, H), dtype=jnp.float32) * sh
    b2_l = jnp.zeros((H,), dtype=jnp.float32)
    W2_r = jax.random.normal(ks[5], (H, H), dtype=jnp.float32) * sh
    W_lin = jax.random.normal(ks[6], (H, O), dtype=jnp.float32) * sh
    b_lin = jnp.zeros((O,), dtype=jnp.float32)
    return {"x": x, "edge_index": edge_index, "W1_l": W1_l, "b1_l": b1_l, "W1_r": W1_r,
            "W2_l": W2_l, "b2_l": b2_l, "W2_r": W2_r, "W_lin": W_lin, "b_lin": b_lin}


def _sage_conv(h, edge_index, Wl, bl, Wr):
    # PyG SAGEConv(aggr='mean', normalize=True):
    # out = lin_l(mean_{j in N(i)} x_j) + lin_r(x_i); out = l2_normalize(out)
    src = edge_index[0]
    dst = edge_index[1]
    msg = h[src]  # gather source node features per edge
    agg = jax.ops.segment_sum(msg, dst, num_segments=N)
    cnt = jax.ops.segment_sum(jnp.ones((edge_index.shape[1],), dtype=h.dtype), dst, num_segments=N)
    mean = agg / jnp.clip(cnt, 1.0)[:, None]
    out = mean @ Wl + bl + h @ Wr
    nrm = jnp.linalg.norm(out, axis=-1, keepdims=True)
    return out / jnp.clip(nrm, 1e-12)


def reference(x, edge_index, W1_l, b1_l, W1_r, W2_l, b2_l, W2_r, W_lin, b_lin):
    # dropout is identity in eval mode
    h1 = jax.nn.relu(_sage_conv(x, edge_index, W1_l, b1_l, W1_r))
    h2 = jax.nn.relu(_sage_conv(h1, edge_index, W2_l, b2_l, W2_r) + h1)
    return h2 @ W_lin + b_lin

if __name__ == "__main__":
    import jax
    _d = setup_inputs()
    print(jax.jit(kernel)(*tuple(_d.values())))

</pallas_src>

<mosaic_0001>
#map = affine_map<(d0, d1) -> (0, 0)>
#map1 = affine_map<(d0, d1) -> (0)>
module attributes {stable_mosaic.version = 14 : i64} {
  func.func @sc_feat(%arg0: i32, %arg1: i32, %arg2: memref<10240x128xf32, #tpu.memory_space<hbm>>, %arg3: memref<320000xi32, #tpu.memory_space<hbm>>, %arg4: memref<320000xi32, #tpu.memory_space<hbm>>, %arg5: memref<10240x128xf32, #tpu.memory_space<hbm>>, %arg6: memref<20480x128xf32, #tpu.memory_space<hbm>>, %arg7: memref<160xi32, #tpu.memory_space<vmem>>, %arg8: memref<160xi32, #tpu.memory_space<vmem>>, %arg9: memref<160xi32, #tpu.memory_space<vmem>>, %arg10: memref<160xi32, #tpu.memory_space<vmem>>, %arg11: memref<80xi32, #tpu.memory_space<vmem>>, %arg12: memref<80xi32, #tpu.memory_space<vmem>>, %arg13: memref<160x128xf32, #tpu.memory_space<vmem>>, %arg14: memref<160x128xf32, #tpu.memory_space<vmem>>, %arg15: memref<10240x128xf32, #tpu.memory_space<vmem_shared>>, %arg16: memref<!tpu.dma_semaphore, #tpu.memory_space<semaphore_mem>>, %arg17: memref<!tpu.dma_semaphore, #tpu.memory_space<semaphore_mem>>) attributes {dimension_semantics = [#tpu.dimension_semantics<core_parallel>, #tpu.dimension_semantics<subcore_parallel>], iteration_bounds = array<i64: 2, 16>, scalar_prefetch = 0 : i64, scratch_operands = 11 : i64, tpu.core_type = #tpu.core_type<sc_vector_subcore>, window_params = [{transform_indices = #map}, {transform_indices = #map1}, {transform_indices = #map1}, {transform_indices = #map}, {transform_indices = #map}]} {
    %mul3A = arith.constant 2 : i32
    %mul3A_0 = arith.muli %arg1, %mul3A : i32
    %add3A = arith.addi %mul3A_0, %arg0 : i32
    %mul3A_1 = arith.constant 10000 : i32
    %mul3A_2 = arith.muli %add3A, %mul3A_1 : i32
    %mul3A_3 = arith.constant 640 : i32
    %mul3A_4 = arith.muli %arg1, %mul3A_3 : i32
    %mul3A_5 = arith.constant 640 : i32
    %mul3A_6 = arith.muli %arg1, %mul3A_5 : i32
    "tpu.region"() ({
      %run_scoped3A = tpu.sem_alloc : memref<!tpu.dma_semaphore, #tpu.memory_space<semaphore_mem>>
      %dma_start3A_60 = arith.constant 0 : i32
      %dma_start3A_61 = tpu.memref_slice %arg15[%mul3A_6, %dma_start3A_60] : memref<10240x128xf32, #tpu.memory_space<vmem_shared>> -> memref<640x128xf32, #tpu.memory_space<vmem_shared>>
      %dma_start3A_62 = arith.constant 0 : i32
      %dma_start3A_63 = tpu.memref_slice %arg5[%mul3A_4, %dma_start3A_62] : memref<10240x128xf32, #tpu.memory_space<hbm>> -> memref<640x128xf32, #tpu.memory_space<hbm>>
      tpu.enqueue_dma source(%dma_start3A_63 : memref<640x128xf32, #tpu.memory_space<hbm>>) target(%dma_start3A_61 : memref<640x128xf32, #tpu.memory_space<vmem_shared>>) target_semaphore(%run_scoped3A : memref<!tpu.dma_semaphore, #tpu.memory_space<semaphore_mem>>)
      %dma_wait3A_64 = arith.constant 0 : i32
      %dma_wait3A_65 = tpu.memref_slice %arg15[%mul3A_6, %dma_wait3A_64] : memref<10240x128xf32, #tpu.memory_space<vmem_shared>> -> memref<640x128xf32, #tpu.memory_space<vmem_shared>>
      %dma_wait3A_66 = arith.constant 0 : i32
      %dma_wait3A_67 = tpu.memref_slice %arg5[%mul3A_4, %dma_wait3A_66] : memref<10240x128xf32, #tpu.memory_space<hbm>> -> memref<640x128xf32, #tpu.memory_space<hbm>>
      tpu.wait_dma2 semaphore(%run_scoped3A : memref<!tpu.dma_semaphore, #tpu.memory_space<semaphore_mem>>) src(%dma_wait3A_67 : memref<640x128xf32, #tpu.memory_space<hbm>>) dst(%dma_wait3A_65 : memref<640x128xf32, #tpu.memory_space<vmem_shared>>)
      tpu.yield
    }) : () -> ()
    %barrier3A = arith.constant 0 : index
    tpu.barrier barrier_id(%barrier3A)
    %add3A_7 = arith.constant 0 : i32
    %add3A_8 = arith.addi %mul3A_2, %add3A_7 : i32
    "tpu.region"() ({
      %run_scoped3A = tpu.sem_alloc : memref<!tpu.dma_semaphore, #tpu.memory_space<semaphore_mem>>
      %dma_start3A_60 = tpu.memref_slice %arg3[%add3A_8] : memref<320000xi32, #tpu.memory_space<hbm>> -> memref<160xi32, #tpu.memory_space<hbm>>
      %dma_start3A_61 = tpu.memref_slice %arg3[%add3A_8] : memref<320000xi32, #tpu.memory_space<hbm>> -> memref<160xi32, #tpu.memory_space<hbm>>
      tpu.enqueue_dma source(%dma_start3A_61 : memref<160xi32, #tpu.memory_space<hbm>>) target(%arg7 : memref<160xi32, #tpu.memory_space<vmem>>) target_semaphore(%run_scoped3A : memref<!tpu.dma_semaphore, #tpu.memory_space<semaphore_mem>>)
      %dma_wait3A_62 = tpu.memref_slice %arg3[%add3A_8] : memref<320000xi32, #tpu.memory_space<hbm>> -> memref<160xi32, #tpu.memory_space<hbm>>
      %dma_wait3A_63 = tpu.memref_slice %arg3[%add3A_8] : memref<320000xi32, #tpu.memory_space<hbm>> -> memref<160xi32, #tpu.memory_space<hbm>>
      tpu.wait_dma2 semaphore(%run_scoped3A : memref<!tpu.dma_semaphore, #tpu.memory_space<semaphore_mem>>) src(%dma_wait3A_63 : memref<160xi32, #tpu.memory_space<hbm>>) dst(%arg7 : memref<160xi32, #tpu.memory_space<vmem>>)
      tpu.yield
    }) : () -> ()
    "tpu.region"() ({
      %run_scoped3A = tpu.sem_alloc : memref<!tpu.dma_semaphore, #tpu.memory_space<semaphore_mem>>
      %dma_start3A_60 = tpu.memref_slice %arg4[%add3A_8] : memref<320000xi32, #tpu.memory_space<hbm>> -> memref<160xi32, #tpu.memory_space<hbm>>
      %dma_start3A_61 = tpu.memref_slice %arg4[%add3A_8] : memref<320000xi32, #tpu.memory_space<hbm>> -> memref<160xi32, #tpu.memory_space<hbm>>
      tpu.enqueue_dma source(%dma_start3A_61 : memref<160xi32, #tpu.memory_space<hbm>>) target(%arg8 : memref<160xi32, #tpu.memory_space<vmem>>) target_semaphore(%run_scoped3A : memref<!tpu.dma_semaphore, #tpu.memory_space<semaphore_mem>>)
      %dma_wait3A_62 = tpu.memref_slice %arg4[%add3A_8] : memref<320000xi32, #tpu.memory_space<hbm>> -> memref<160xi32, #tpu.memory_space<hbm>>
      %dma_wait3A_63 = tpu.memref_slice %arg4[%add3A_8] : memref<320000xi32, #tpu.memory_space<hbm>> -> memref<160xi32, #tpu.memory_space<hbm>>
      tpu.wait_dma2 semaphore(%run_scoped3A : memref<!tpu.dma_semaphore, #tpu.memory_space<semaphore_mem>>) src(%dma_wait3A_63 : memref<160xi32, #tpu.memory_space<hbm>>) dst(%arg8 : memref<160xi32, #tpu.memory_space<vmem>>)
      tpu.yield
    }) : () -> ()
    %dma_start3A = arith.constant 0 : i32
    %dma_start3A_9 = arith.constant 0 : i32
    %dma_start3A_10 = tpu.memref_slice %arg2[%dma_start3A, %dma_start3A_9] : memref<10240x128xf32, #tpu.memory_space<hbm>> -> memref<10240x128xf32, #tpu.memory_space<hbm>>
    tpu.enqueue_indirect_dma source(%dma_start3A_10 : memref<10240x128xf32, #tpu.memory_space<hbm>>) target(%arg13 : memref<160x128xf32, #tpu.memory_space<vmem>>) offsets(%arg7 : memref<160xi32, #tpu.memory_space<vmem>>) semaphore(%arg16 : memref<!tpu.dma_semaphore, #tpu.memory_space<semaphore_mem>>)
    %dma_wait3A = arith.constant 0 : i32
    %dma_wait3A_11 = arith.constant 0 : i32
    %dma_wait3A_12 = tpu.memref_slice %arg2[%dma_wait3A, %dma_wait3A_11] : memref<10240x128xf32, #tpu.memory_space<hbm>> -> memref<10240x128xf32, #tpu.memory_space<hbm>>
    tpu.wait_indirect_dma semaphore(%arg16 : memref<!tpu.dma_semaphore, #tpu.memory_space<semaphore_mem>>) src(%dma_wait3A_12 : memref<10240x128xf32, #tpu.memory_space<hbm>>) dst(%arg13 : memref<160x128xf32, #tpu.memory_space<vmem>>)
    %dma_start3A_13 = arith.constant 0 : i32
    %dma_start3A_14 = arith.constant 0 : i32
    %dma_start3A_15 = tpu.memref_slice %arg15[%dma_start3A_13, %dma_start3A_14] : memref<10240x128xf32, #tpu.memory_space<vmem_shared>> -> memref<10240x128xf32, #tpu.memory_space<vmem_shared>>
    tpu.enqueue_indirect_dma source(%arg13 : memref<160x128xf32, #tpu.memory_space<vmem>>) target(%dma_start3A_15 : memref<10240x128xf32, #tpu.memory_space<vmem_shared>>) offsets(%arg8 : memref<160xi32, #tpu.memory_space<vmem>>) semaphore(%arg17 : memref<!tpu.dma_semaphore, #tpu.memory_space<semaphore_mem>>) {add = true}
    %add3A_16 = arith.constant 160 : i32
    %add3A_17 = arith.addi %mul3A_2, %add3A_16 : i32
    "tpu.region"() ({
      %run_scoped3A = tpu.sem_alloc : memref<!tpu.dma_semaphore, #tpu.memory_space<semaphore_mem>>
      %dma_start3A_60 = tpu.memref_slice %arg3[%add3A_17] : memref<320000xi32, #tpu.memory_space<hbm>> -> memref<160xi32, #tpu.memory_space<hbm>>
      %dma_start3A_61 = tpu.memref_slice %arg3[%add3A_17] : memref<320000xi32, #tpu.memory_space<hbm>> -> memref<160xi32, #tpu.memory_space<hbm>>
      tpu.enqueue_dma source(%dma_start3A_61 : memref<160xi32, #tpu.memory_space<hbm>>) target(%arg9 : memref<160xi32, #tpu.memory_space<vmem>>) target_semaphore(%run_scoped3A : memref<!tpu.dma_semaphore, #tpu.memory_space<semaphore_mem>>)
      %dma_wait3A_62 = tpu.memref_slice %arg3[%add3A_17] : memref<320000xi32, #tpu.memory_space<hbm>> -> memref<160xi32, #tpu.memory_space<hbm>>
      %dma_wait3A_63 = tpu.memref_slice %arg3[%add3A_17] : memref<320000xi32, #tpu.memory_space<hbm>> -> memref<160xi32, #tpu.memory_space<hbm>>
      tpu.wait_dma2 semaphore(%run_scoped3A : memref<!tpu.dma_semaphore, #tpu.memory_space<semaphore_mem>>) src(%dma_wait3A_63 : memref<160xi32, #tpu.memory_space<hbm>>) dst(%arg9 : memref<160xi32, #tpu.memory_space<vmem>>)
      tpu.yield
    }) : () -> ()
    "tpu.region"() ({
      %run_scoped3A = tpu.sem_alloc : memref<!tpu.dma_semaphore, #tpu.memory_space<semaphore_mem>>
      %dma_start3A_60 = tpu.memref_slice %arg4[%add3A_17] : memref<320000xi32, #tpu.memory_space<hbm>> -> memref<160xi32, #tpu.memory_space<hbm>>
      %dma_start3A_61 = tpu.memref_slice %arg4[%add3A_17] : memref<320000xi32, #tpu.memory_space<hbm>> -> memref<160xi32, #tpu.memory_space<hbm>>
      tpu.enqueue_dma source(%dma_start3A_61 : memref<160xi32, #tpu.memory_space<hbm>>) target(%arg10 : memref<160xi32, #tpu.memory_space<vmem>>) target_semaphore(%run_scoped3A : memref<!tpu.dma_semaphore, #tpu.memory_space<semaphore_mem>>)
      %dma_wait3A_62 = tpu.memref_slice %arg4[%add3A_17] : memref<320000xi32, #tpu.memory_space<hbm>> -> memref<160xi32, #tpu.memory_space<hbm>>
      %dma_wait3A_63 = tpu.memref_slice %arg4[%add3A_17] : memref<320000xi32, #tpu.memory_space<hbm>> -> memref<160xi32, #tpu.memory_space<hbm>>
      tpu.wait_dma2 semaphore(%run_scoped3A : memref<!tpu.dma_semaphore, #tpu.memory_space<semaphore_mem>>) src(%dma_wait3A_63 : memref<160xi32, #tpu.memory_space<hbm>>) dst(%arg10 : memref<160xi32, #tpu.memory_space<vmem>>)
      tpu.yield
    }) : () -> ()
    %dma_start3A_18 = arith.constant 0 : i32
    %dma_start3A_19 = arith.constant 0 : i32
    %dma_start3A_20 = tpu.memref_slice %arg2[%dma_start3A_18, %dma_start3A_19] : memref<10240x128xf32, #tpu.memory_space<hbm>> -> memref<10240x128xf32, #tpu.memory_space<hbm>>
    tpu.enqueue_indirect_dma source(%dma_start3A_20 : memref<10240x128xf32, #tpu.memory_space<hbm>>) target(%arg14 : memref<160x128xf32, #tpu.memory_space<vmem>>) offsets(%arg9 : memref<160xi32, #tpu.memory_space<vmem>>) semaphore(%arg16 : memref<!tpu.dma_semaphore, #tpu.memory_space<semaphore_mem>>)
    %dma_wait3A_21 = arith.constant 0 : i32
    %dma_wait3A_22 = arith.constant 0 : i32
    %dma_wait3A_23 = tpu.memref_slice %arg2[%dma_wait3A_21, %dma_wait3A_22] : memref<10240x128xf32, #tpu.memory_space<hbm>> -> memref<10240x128xf32, #tpu.memory_space<hbm>>
    tpu.wait_indirect_dma semaphore(%arg16 : memref<!tpu.dma_semaphore, #tpu.memory_space<semaphore_mem>>) src(%dma_wait3A_23 : memref<10240x128xf32, #tpu.memory_space<hbm>>) dst(%arg14 : memref<160x128xf32, #tpu.memory_space<vmem>>)
    %dma_start3A_24 = arith.constant 0 : i32
    %dma_start3A_25 = arith.constant 0 : i32
    %dma_start3A_26 = tpu.memref_slice %arg15[%dma_start3A_24, %dma_start3A_25] : memref<10240x128xf32, #tpu.memory_space<vmem_shared>> -> memref<10240x128xf32, #tpu.memory_space<vmem_shared>>
    tpu.enqueue_indirect_dma source(%arg14 : memref<160x128xf32, #tpu.memory_space<vmem>>) target(%dma_start3A_26 : memref<10240x128xf32, #tpu.memory_space<vmem_shared>>) offsets(%arg10 : memref<160xi32, #tpu.memory_space<vmem>>) semaphore(%arg17 : memref<!tpu.dma_semaphore, #tpu.memory_space<semaphore_mem>>) {add = true}
    %scan3A = arith.constant 0 : i32
    %scan3A_27 = arith.constant 1 : i32
    %scan3A_28 = arith.constant 30 : i32
    %scan3A_29 = arith.addi %scan3A_27, %scan3A_28 : i32
    %scan3A_30 = arith.constant 1 : i32
    scf.for %scan3A_60 = %scan3A_27 to %scan3A_29 step %scan3A_30  : i32 {
      %mul3A_61 = arith.constant 2 : i32
      %mul3A_62 = arith.muli %mul3A_61, %scan3A_60 : i32
      %dma_wait3A_63 = arith.constant 0 : i32
      %dma_wait3A_64 = arith.constant 0 : i32
      %dma_wait3A_65 = tpu.memref_slice %arg15[%dma_wait3A_63, %dma_wait3A_64] : memref<10240x128xf32, #tpu.memory_space<vmem_shared>> -> memref<10240x128xf32, #tpu.memory_space<vmem_shared>>
      tpu.wait_indirect_dma semaphore(%arg17 : memref<!tpu.dma_semaphore, #tpu.memory_space<semaphore_mem>>) src(%arg13 : memref<160x128xf32, #tpu.memory_space<vmem>>) dst(%dma_wait3A_65 : memref<10240x128xf32, #tpu.memory_space<vmem_shared>>)
      %mul3A_66 = arith.constant 160 : i32
      %mul3A_67 = arith.muli %mul3A_62, %mul3A_66 : i32
      %add3A_68 = arith.addi %mul3A_2, %mul3A_67 : i32
      "tpu.region"() ({
        %run_scoped3A = tpu.sem_alloc : memref<!tpu.dma_semaphore, #tpu.memory_space<semaphore_mem>>
        %dma_start3A_95 = tpu.memref_slice %arg3[%add3A_68] : memref<320000xi32, #tpu.memory_space<hbm>> -> memref<160xi32, #tpu.memory_space<hbm>>
        %dma_start3A_96 = tpu.memref_slice %arg3[%add3A_68] : memref<320000xi32, #tpu.memory_space<hbm>> -> memref<160xi32, #tpu.memory_space<hbm>>
        tpu.enqueue_dma source(%dma_start3A_96 : memref<160xi32, #tpu.memory_space<hbm>>) target(%arg7 : memref<160xi32, #tpu.memory_space<vmem>>) target_semaphore(%run_scoped3A : memref<!tpu.dma_semaphore, #tpu.memory_space<semaphore_mem>>)
        %dma_wait3A_97 = tpu.memref_slice %arg3[%add3A_68] : memref<320000xi32, #tpu.memory_space<hbm>> -> memref<160xi32, #tpu.memory_space<hbm>>
        %dma_wait3A_98 = tpu.memref_slice %arg3[%add3A_68] : memref<320000xi32, #tpu.memory_space<hbm>> -> memref<160xi32, #tpu.memory_space<hbm>>
        tpu.wait_dma2 semaphore(%run_scoped3A : memref<!tpu.dma_semaphore, #tpu.memory_space<semaphore_mem>>) src(%dma_wait3A_98 : memref<160xi32, #tpu.memory_space<hbm>>) dst(%arg7 : memref<160xi32, #tpu.memory_space<vmem>>)
        tpu.yield
      }) : () -> ()
      "tpu.region"() ({
        %run_scoped3A = tpu.sem_alloc : memref<!tpu.dma_semaphore, #tpu.memory_space<semaphore_mem>>
        %dma_start3A_95 = tpu.memref_slice %arg4[%add3A_68] : memref<320000xi32, #tpu.memory_space<hbm>> -> memref<160xi32, #tpu.memory_space<hbm>>
        %dma_start3A_96 = tpu.memref_slice %arg4[%add3A_68] : memref<320000xi32, #tpu.memory_space<hbm>> -> memref<160xi32, #tpu.memory_space<hbm>>
        tpu.enqueue_dma source(%dma_start3A_96 : memref<160xi32, #tpu.memory_space<hbm>>) target(%arg8 : memref<160xi32, #tpu.memory_space<vmem>>) target_semaphore(%run_scoped3A : memref<!tpu.dma_semaphore, #tpu.memory_space<semaphore_mem>>)
        %dma_wait3A_97 = tpu.memref_slice %arg4[%add3A_68] : memref<320000xi32, #tpu.memory_space<hbm>> -> memref<160xi32, #tpu.memory_space<hbm>>
        %dma_wait3A_98 = tpu.memref_slice %arg4[%add3A_68] : memref<320000xi32, #tpu.memory_space<hbm>> -> memref<160xi32, #tpu.memory_space<hbm>>
        tpu.wait_dma2 semaphore(%run_scoped3A : memref<!tpu.dma_semaphore, #tpu.memory_space<semaphore_mem>>) src(%dma_wait3A_98 : memref<160xi32, #tpu.memory_space<hbm>>) dst(%arg8 : memref<160xi32, #tpu.memory_space<vmem>>)
        tpu.yield
      }) : () -> ()
      %dma_start3A_69 = arith.constant 0 : i32
      %dma_start3A_70 = arith.constant 0 : i32
      %dma_start3A_71 = tpu.memref_slice %arg2[%dma_start3A_69, %dma_start3A_70] : memref<10240x128xf32, #tpu.memory_space<hbm>> -> memref<10240x128xf32, #tpu.memory_space<hbm>>
      tpu.enqueue_indirect_dma source(%dma_start3A_71 : memref<10240x128xf32, #tpu.memory_space<hbm>>) target(%arg13 : memref<160x128xf32, #tpu.memory_space<vmem>>) offsets(%arg7 : memref<160xi32, #tpu.memory_space<vmem>>) semaphore(%arg16 : memref<!tpu.dma_semaphore, #tpu.memory_space<semaphore_mem>>)
      %dma_wait3A_72 = arith.constant 0 : i32
      %dma_wait3A_73 = arith.constant 0 : i32
      %dma_wait3A_74 = tpu.memref_slice %arg2[%dma_wait3A_72, %dma_wait3A_73] : memref<10240x128xf32, #tpu.memory_space<hbm>> -> memref<10240x128xf32, #tpu.memory_space<hbm>>
      tpu.wait_indirect_dma semaphore(%arg16 : memref<!tpu.dma_semaphore, #tpu.memory_space<semaphore_mem>>) src(%dma_wait3A_74 : memref<10240x128xf32, #tpu.memory_space<hbm>>) dst(%arg13 : memref<160x128xf32, #tpu.memory_space<vmem>>)
      %dma_start3A_75 = arith.constant 0 : i32
      %dma_start3A_76 = arith.constant 0 : i32
      %dma_start3A_77 = tpu.memref_slice %arg15[%dma_start3A_75, %dma_start3A_76] : memref<10240x128xf32, #tpu.memory_space<vmem_shared>> -> memref<10240x128xf32, #tpu.memory_space<vmem_shared>>
      tpu.enqueue_indirect_dma source(%arg13 : memref<160x128xf32, #tpu.memory_space<vmem>>) target(%dma_start3A_77 : memref<10240x128xf32, #tpu.memory_space<vmem_shared>>) offsets(%arg8 : memref<160xi32, #tpu.memory_space<vmem>>) semaphore(%arg17 : memref<!tpu.dma_semaphore, #tpu.memory_space<semaphore_mem>>) {add = true}
      %dma_wait3A_78 = arith.constant 0 : i32
      %dma_wait3A_79 = arith.constant 0 : i32
      %dma_wait3A_80 = tpu.memref_slice %arg15[%dma_wait3A_78, %dma_wait3A_79] : memref<10240x128xf32, #tpu.memory_space<vmem_shared>> -> memref<10240x128xf32, #tpu.memory_space<vmem_shared>>
      tpu.wait_indirect_dma semaphore(%arg17 : memref<!tpu.dma_semaphore, #tpu.memory_space<semaphore_mem>>) src(%arg14 : memref<160x128xf32, #tpu.memory_space<vmem>>) dst(%dma_wait3A_80 : memref<10240x128xf32, #tpu.memory_space<vmem_shared>>)
      %add3A_81 = arith.constant 1 : i32
      %add3A_82 = arith.addi %mul3A_62, %add3A_81 : i32
      %mul3A_83 = arith.constant 160 : i32
      %mul3A_84 = arith.muli %add3A_82, %mul3A_83 : i32
      %add3A_85 = arith.addi %mul3A_2, %mul3A_84 : i32
      "tpu.region"() ({
        %run_scoped3A = tpu.sem_alloc : memref<!tpu.dma_semaphore, #tpu.memory_space<semaphore_mem>>
        %dma_start3A_95 = tpu.memref_slice %arg3[%add3A_85] : memref<320000xi32, #tpu.memory_space<hbm>> -> memref<160xi32, #tpu.memory_space<hbm>>
        %dma_start3A_96 = tpu.memref_slice %arg3[%add3A_85] : memref<320000xi32, #tpu.memory_space<hbm>> -> memref<160xi32, #tpu.memory_space<hbm>>
        tpu.enqueue_dma source(%dma_start3A_96 : memref<160xi32, #tpu.memory_space<hbm>>) target(%arg9 : memref<160xi32, #tpu.memory_space<vmem>>) target_semaphore(%run_scoped3A : memref<!tpu.dma_semaphore, #tpu.memory_space<semaphore_mem>>)
        %dma_wait3A_97 = tpu.memref_slice %arg3[%add3A_85] : memref<320000xi32, #tpu.memory_space<hbm>> -> memref<160xi32, #tpu.memory_space<hbm>>
        %dma_wait3A_98 = tpu.memref_slice %arg3[%add3A_85] : memref<320000xi32, #tpu.memory_space<hbm>> -> memref<160xi32, #tpu.memory_space<hbm>>
        tpu.wait_dma2 semaphore(%run_scoped3A : memref<!tpu.dma_semaphore, #tpu.memory_space<semaphore_mem>>) src(%dma_wait3A_98 : memref<160xi32, #tpu.memory_space<hbm>>) dst(%arg9 : memref<160xi32, #tpu.memory_space<vmem>>)
        tpu.yield
      }) : () -> ()
      "tpu.region"() ({
        %run_scoped3A = tpu.sem_alloc : memref<!tpu.dma_semaphore, #tpu.memory_space<semaphore_mem>>
        %dma_start3A_95 = tpu.memref_slice %arg4[%add3A_85] : memref<320000xi32, #tpu.memory_space<hbm>> -> memref<160xi32, #tpu.memory_space<hbm>>
        %dma_start3A_96 = tpu.memref_slice %arg4[%add3A_85] : memref<320000xi32, #tpu.memory_space<hbm>> -> memref<160xi32, #tpu.memory_space<hbm>>
        tpu.enqueue_dma source(%dma_start3A_96 : memref<160xi32, #tpu.memory_space<hbm>>) target(%arg10 : memref<160xi32, #tpu.memory_space<vmem>>) target_semaphore(%run_scoped3A : memref<!tpu.dma_semaphore, #tpu.memory_space<semaphore_mem>>)
        %dma_wait3A_97 = tpu.memref_slice %arg4[%add3A_85] : memref<320000xi32, #tpu.memory_space<hbm>> -> memref<160xi32, #tpu.memory_space<hbm>>
        %dma_wait3A_98 = tpu.memref_slice %arg4[%add3A_85] : memref<320000xi32, #tpu.memory_space<hbm>> -> memref<160xi32, #tpu.memory_space<hbm>>
        tpu.wait_dma2 semaphore(%run_scoped3A : memref<!tpu.dma_semaphore, #tpu.memory_space<semaphore_mem>>) src(%dma_wait3A_98 : memref<160xi32, #tpu.memory_space<hbm>>) dst(%arg10 : memref<160xi32, #tpu.memory_space<vmem>>)
        tpu.yield
      }) : () -> ()
      %dma_start3A_86 = arith.constant 0 : i32
      %dma_start3A_87 = arith.constant 0 : i32
      %dma_start3A_88 = tpu.memref_slice %arg2[%dma_start3A_86, %dma_start3A_87] : memref<10240x128xf32, #tpu.memory_space<hbm>> -> memref<10240x128xf32, #tpu.memory_space<hbm>>
      tpu.enqueue_indirect_dma source(%dma_start3A_88 : memref<10240x128xf32, #tpu.memory_space<hbm>>) target(%arg14 : memref<160x128xf32, #tpu.memory_space<vmem>>) offsets(%arg9 : memref<160xi32, #tpu.memory_space<vmem>>) semaphore(%arg16 : memref<!tpu.dma_semaphore, #tpu.memory_space<semaphore_mem>>)
      %dma_wait3A_89 = arith.constant 0 : i32
      %dma_wait3A_90 = arith.constant 0 : i32
      %dma_wait3A_91 = tpu.memref_slice %arg2[%dma_wait3A_89, %dma_wait3A_90] : memref<10240x128xf32, #tpu.memory_space<hbm>> -> memref<10240x128xf32, #tpu.memory_space<hbm>>
      tpu.wait_indirect_dma semaphore(%arg16 : memref<!tpu.dma_semaphore, #tpu.memory_space<semaphore_mem>>) src(%dma_wait3A_91 : memref<10240x128xf32, #tpu.memory_space<hbm>>) dst(%arg14 : memref<160x128xf32, #tpu.memory_space<vmem>>)
      %dma_start3A_92 = arith.constant 0 : i32
      %dma_start3A_93 = arith.constant 0 : i32
      %dma_start3A_94 = tpu.memref_slice %arg15[%dma_start3A_92, %dma_start3A_93] : memref<10240x128xf32, #tpu.memory_space<vmem_shared>> -> memref<10240x128xf32, #tpu.memory_space<vmem_shared>>
      tpu.enqueue_indirect_dma source(%arg14 : memref<160x128xf32, #tpu.memory_space<vmem>>) target(%dma_start3A_94 : memref<10240x128xf32, #tpu.memory_space<vmem_shared>>) offsets(%arg10 : memref<160xi32, #tpu.memory_space<vmem>>) semaphore(%arg17 : memref<!tpu.dma_semaphore, #tpu.memory_space<semaphore_mem>>) {add = true}
    }
    %scan3A_31 = arith.constant 30 : i32
    %dma_wait3A_32 = arith.constant 0 : i32
    %dma_wait3A_33 = arith.constant 0 : i32
    %dma_wait3A_34 = tpu.memref_slice %arg15[%dma_wait3A_32, %dma_wait3A_33] : memref<10240x128xf32, #tpu.memory_space<vmem_shared>> -> memref<10240x128xf32, #tpu.memory_space<vmem_shared>>
    tpu.wait_indirect_dma semaphore(%arg17 : memref<!tpu.dma_semaphore, #tpu.memory_space<semaphore_mem>>) src(%arg13 : memref<160x128xf32, #tpu.memory_space<vmem>>) dst(%dma_wait3A_34 : memref<10240x128xf32, #tpu.memory_space<vmem_shared>>)
    %dma_wait3A_35 = arith.constant 0 : i32
    %dma_wait3A_36 = arith.constant 0 : i32
    %dma_wait3A_37 = tpu.memref_slice %arg15[%dma_wait3A_35, %dma_wait3A_36] : memref<10240x128xf32, #tpu.memory_space<vmem_shared>> -> memref<10240x128xf32, #tpu.memory_space<vmem_shared>>
    tpu.wait_indirect_dma semaphore(%arg17 : memref<!tpu.dma_semaphore, #tpu.memory_space<semaphore_mem>>) src(%arg14 : memref<160x128xf32, #tpu.memory_space<vmem>>) dst(%dma_wait3A_37 : memref<10240x128xf32, #tpu.memory_space<vmem_shared>>)
    %add3A_38 = arith.constant 9920 : i32
    %add3A_39 = arith.addi %mul3A_2, %add3A_38 : i32
    "tpu.region"() ({
      %run_scoped3A = tpu.sem_alloc : memref<!tpu.dma_semaphore, #tpu.memory_space<semaphore_mem>>
      %dma_start3A_60 = tpu.memref_slice %arg3[%add3A_39] : memref<320000xi32, #tpu.memory_space<hbm>> -> memref<80xi32, #tpu.memory_space<hbm>>
      %dma_start3A_61 = tpu.memref_slice %arg3[%add3A_39] : memref<320000xi32, #tpu.memory_space<hbm>> -> memref<80xi32, #tpu.memory_space<hbm>>
      tpu.enqueue_dma source(%dma_start3A_61 : memref<80xi32, #tpu.memory_space<hbm>>) target(%arg11 : memref<80xi32, #tpu.memory_space<vmem>>) target_semaphore(%run_scoped3A : memref<!tpu.dma_semaphore, #tpu.memory_space<semaphore_mem>>)
      %dma_wait3A_62 = tpu.memref_slice %arg3[%add3A_39] : memref<320000xi32, #tpu.memory_space<hbm>> -> memref<80xi32, #tpu.memory_space<hbm>>
      %dma_wait3A_63 = tpu.memref_slice %arg3[%add3A_39] : memref<320000xi32, #tpu.memory_space<hbm>> -> memref<80xi32, #tpu.memory_space<hbm>>
      tpu.wait_dma2 semaphore(%run_scoped3A : memref<!tpu.dma_semaphore, #tpu.memory_space<semaphore_mem>>) src(%dma_wait3A_63 : memref<80xi32, #tpu.memory_space<hbm>>) dst(%arg11 : memref<80xi32, #tpu.memory_space<vmem>>)
      tpu.yield
    }) : () -> ()
    "tpu.region"() ({
      %run_scoped3A = tpu.sem_alloc : memref<!tpu.dma_semaphore, #tpu.memory_space<semaphore_mem>>
      %dma_start3A_60 = tpu.memref_slice %arg4[%add3A_39] : memref<320000xi32, #tpu.memory_space<hbm>> -> memref<80xi32, #tpu.memory_space<hbm>>
      %dma_start3A_61 = tpu.memref_slice %arg4[%add3A_39] : memref<320000xi32, #tpu.memory_space<hbm>> -> memref<80xi32, #tpu.memory_space<hbm>>
      tpu.enqueue_dma source(%dma_start3A_61 : memref<80xi32, #tpu.memory_space<hbm>>) target(%arg12 : memref<80xi32, #tpu.memory_space<vmem>>) target_semaphore(%run_scoped3A : memref<!tpu.dma_semaphore, #tpu.memory_space<semaphore_mem>>)
      %dma_wait3A_62 = tpu.memref_slice %arg4[%add3A_39] : memref<320000xi32, #tpu.memory_space<hbm>> -> memref<80xi32, #tpu.memory_space<hbm>>
      %dma_wait3A_63 = tpu.memref_slice %arg4[%add3A_39] : memref<320000xi32, #tpu.memory_space<hbm>> -> memref<80xi32, #tpu.memory_space<hbm>>
      tpu.wait_dma2 semaphore(%run_scoped3A : memref<!tpu.dma_semaphore, #tpu.memory_space<semaphore_mem>>) src(%dma_wait3A_63 : memref<80xi32, #tpu.memory_space<hbm>>) dst(%arg12 : memref<80xi32, #tpu.memory_space<vmem>>)
      tpu.yield
    }) : () -> ()
    %dma_start3A_40 = arith.constant 0 : i32
    %dma_start3A_41 = arith.constant 0 : i32
    %dma_start3A_42 = tpu.memref_slice %arg13[%dma_start3A_40, %dma_start3A_41] : memref<160x128xf32, #tpu.memory_space<vmem>> -> memref<80x128xf32, #tpu.memory_space<vmem>>
    %dma_start3A_43 = arith.constant 0 : i32
    %dma_start3A_44 = arith.constant 0 : i32
    %dma_start3A_45 = tpu.memref_slice %arg2[%dma_start3A_43, %dma_start3A_44] : memref<10240x128xf32, #tpu.memory_space<hbm>> -> memref<10240x128xf32, #tpu.memory_space<hbm>>
    tpu.enqueue_indirect_dma source(%dma_start3A_45 : memref<10240x128xf32, #tpu.memory_space<hbm>>) target(%dma_start3A_42 : memref<80x128xf32, #tpu.memory_space<vmem>>) offsets(%arg11 : memref<80xi32, #tpu.memory_space<vmem>>) semaphore(%arg16 : memref<!tpu.dma_semaphore, #tpu.memory_space<semaphore_mem>>)
    %dma_wait3A_46 = arith.constant 0 : i32
    %dma_wait3A_47 = arith.constant 0 : i32
    %dma_wait3A_48 = tpu.memref_slice %arg13[%dma_wait3A_46, %dma_wait3A_47] : memref<160x128xf32, #tpu.memory_space<vmem>> -> memref<80x128xf32, #tpu.memory_space<vmem>>
    %dma_wait3A_49 = arith.constant 0 : i32
    %dma_wait3A_50 = arith.constant 0 : i32
    %dma_wait3A_51 = tpu.memref_slice %arg2[%dma_wait3A_49, %dma_wait3A_50] : memref<10240x128xf32, #tpu.memory_space<hbm>> -> memref<10240x128xf32, #tpu.memory_space<hbm>>
    tpu.wait_indirect_dma semaphore(%arg16 : memref<!tpu.dma_semaphore, #tpu.memory_space<semaphore_mem>>) src(%dma_wait3A_51 : memref<10240x128xf32, #tpu.memory_space<hbm>>) dst(%dma_wait3A_48 : memref<80x128xf32, #tpu.memory_space<vmem>>)
    "tpu.region"() ({
      %run_scoped3A = tpu.sem_alloc : memref<!tpu.dma_semaphore, #tpu.memory_space<semaphore_mem>>
      %dma_start3A_60 = arith.constant 0 : i32
      %dma_start3A_61 = arith.constant 0 : i32
      %dma_start3A_62 = tpu.memref_slice %arg13[%dma_start3A_60, %dma_start3A_61] : memref<160x128xf32, #tpu.memory_space<vmem>> -> memref<80x128xf32, #tpu.memory_space<vmem>>
      %dma_start3A_63 = arith.constant 0 : i32
      %dma_start3A_64 = arith.constant 0 : i32
      %dma_start3A_65 = tpu.memref_slice %arg15[%dma_start3A_63, %dma_start3A_64] : memref<10240x128xf32, #tpu.memory_space<vmem_shared>> -> memref<10240x128xf32, #tpu.memory_space<vmem_shared>>
      tpu.enqueue_indirect_dma source(%dma_start3A_62 : memref<80x128xf32, #tpu.memory_space<vmem>>) target(%dma_start3A_65 : memref<10240x128xf32, #tpu.memory_space<vmem_shared>>) offsets(%arg12 : memref<80xi32, #tpu.memory_space<vmem>>) semaphore(%run_scoped3A : memref<!tpu.dma_semaphore, #tpu.memory_space<semaphore_mem>>) {add = true}
      %dma_wait3A_66 = arith.constant 0 : i32
      %dma_wait3A_67 = arith.constant 0 : i32
      %dma_wait3A_68 = tpu.memref_slice %arg13[%dma_wait3A_66, %dma_wait3A_67] : memref<160x128xf32, #tpu.memory_space<vmem>> -> memref<80x128xf32, #tpu.memory_space<vmem>>
      %dma_wait3A_69 = arith.constant 0 : i32
      %dma_wait3A_70 = arith.constant 0 : i32
      %dma_wait3A_71 = tpu.memref_slice %arg15[%dma_wait3A_69, %dma_wait3A_70] : memref<10240x128xf32, #tpu.memory_space<vmem_shared>> -> memref<10240x128xf32, #tpu.memory_space<vmem_shared>>
      tpu.wait_indirect_dma semaphore(%run_scoped3A : memref<!tpu.dma_semaphore, #tpu.memory_space<semaphore_mem>>) src(%dma_wait3A_68 : memref<80x128xf32, #tpu.memory_space<vmem>>) dst(%dma_wait3A_71 : memref<10240x128xf32, #tpu.memory_space<vmem_shared>>)
      tpu.yield
    }) : () -> ()
    %barrier3A_52 = arith.constant 0 : index
    tpu.barrier barrier_id(%barrier3A_52)
    %mul3A_53 = arith.constant 640 : i32
    %mul3A_54 = arith.muli %arg1, %mul3A_53 : i32
    %mul3A_55 = arith.constant 10240 : i32
    %mul3A_56 = arith.muli %arg0, %mul3A_55 : i32
    %mul3A_57 = arith.constant 640 : i32
    %mul3A_58 = arith.muli %arg1, %mul3A_57 : i32
    %add3A_59 = arith.addi %mul3A_56, %mul3A_58 : i32
    "tpu.region"() ({
      %run_scoped3A = tpu.sem_alloc : memref<!tpu.dma_semaphore, #tpu.memory_space<semaphore_mem>>
      %dma_start3A_60 = arith.constant 0 : i32
      %dma_start3A_61 = tpu.memref_slice %arg6[%add3A_59, %dma_start3A_60] : memref<20480x128xf32, #tpu.memory_space<hbm>> -> memref<640x128xf32, #tpu.memory_space<hbm>>
      %dma_start3A_62 = arith.constant 0 : i32
      %dma_start3A_63 = tpu.memref_slice %arg15[%mul3A_54, %dma_start3A_62] : memref<10240x128xf32, #tpu.memory_space<vmem_shared>> -> memref<640x128xf32, #tpu.memory_space<vmem_shared>>
      tpu.enqueue_dma source(%dma_start3A_63 : memref<640x128xf32, #tpu.memory_space<vmem_shared>>) target(%dma_start3A_61 : memref<640x128xf32, #tpu.memory_space<hbm>>) target_semaphore(%run_scoped3A : memref<!tpu.dma_semaphore, #tpu.memory_space<semaphore_mem>>)
      %dma_wait3A_64 = arith.constant 0 : i32
      %dma_wait3A_65 = tpu.memref_slice %arg6[%add3A_59, %dma_wait3A_64] : memref<20480x128xf32, #tpu.memory_space<hbm>> -> memref<640x128xf32, #tpu.memory_space<hbm>>
      %dma_wait3A_66 = arith.constant 0 : i32
      %dma_wait3A_67 = tpu.memref_slice %arg15[%mul3A_54, %dma_wait3A_66] : memref<10240x128xf32, #tpu.memory_space<vmem_shared>> -> memref<640x128xf32, #tpu.memory_space<vmem_shared>>
      tpu.wait_dma2 semaphore(%run_scoped3A : memref<!tpu.dma_semaphore, #tpu.memory_space<semaphore_mem>>) src(%dma_wait3A_67 : memref<640x128xf32, #tpu.memory_space<vmem_shared>>) dst(%dma_wait3A_65 : memref<640x128xf32, #tpu.memory_space<hbm>>)
      tpu.yield
    }) : () -> ()
    return
  }
}

#map = affine_map<(d0, d1) -> (0)>
module attributes {stable_mosaic.version = 14 : i64} {
  func.func @sc_cnt(%arg0: i32, %arg1: i32, %arg2: memref<320000xi32, #tpu.memory_space<hbm>>, %arg3: memref<10240xf32, #tpu.memory_space<hbm>>, %arg4: memref<327680xf32, #tpu.memory_space<hbm>>, %arg5: memref<10000xi32, #tpu.memory_space<vmem>>, %arg6: memref<10240xf32, #tpu.memory_space<vmem>>) attributes {dimension_semantics = [#tpu.dimension_semantics<core_parallel>, #tpu.dimension_semantics<subcore_parallel>], iteration_bounds = array<i64: 2, 16>, scalar_prefetch = 0 : i64, scratch_operands = 2 : i64, tpu.core_type = #tpu.core_type<sc_vector_subcore>, window_params = [{transform_indices = #map}, {transform_indices = #map}, {transform_indices = #map}]} {
    %mul3A = arith.constant 2 : i32
    %mul3A_0 = arith.muli %arg1, %mul3A : i32
    %add3A = arith.addi %mul3A_0, %arg0 : i32
    %mul3A_1 = arith.constant 10000 : i32
    %mul3A_2 = arith.muli %add3A, %mul3A_1 : i32
    "tpu.region"() ({
      %run_scoped3A = tpu.sem_alloc : memref<!tpu.dma_semaphore, #tpu.memory_space<semaphore_mem>>
      %dma_start3A = tpu.memref_slice %arg2[%mul3A_2] : memref<320000xi32, #tpu.memory_space<hbm>> -> memref<10000xi32, #tpu.memory_space<hbm>>
      %dma_start3A_11 = tpu.memref_slice %arg2[%mul3A_2] : memref<320000xi32, #tpu.memory_space<hbm>> -> memref<10000xi32, #tpu.memory_space<hbm>>
      tpu.enqueue_dma source(%dma_start3A_11 : memref<10000xi32, #tpu.memory_space<hbm>>) target(%arg5 : memref<10000xi32, #tpu.memory_space<vmem>>) target_semaphore(%run_scoped3A : memref<!tpu.dma_semaphore, #tpu.memory_space<semaphore_mem>>)
      %dma_wait3A = tpu.memref_slice %arg2[%mul3A_2] : memref<320000xi32, #tpu.memory_space<hbm>> -> memref<10000xi32, #tpu.memory_space<hbm>>
      %dma_wait3A_12 = tpu.memref_slice %arg2[%mul3A_2] : memref<320000xi32, #tpu.memory_space<hbm>> -> memref<10000xi32, #tpu.memory_space<hbm>>
      tpu.wait_dma2 semaphore(%run_scoped3A : memref<!tpu.dma_semaphore, #tpu.memory_space<semaphore_mem>>) src(%dma_wait3A_12 : memref<10000xi32, #tpu.memory_space<hbm>>) dst(%arg5 : memref<10000xi32, #tpu.memory_space<vmem>>)
      tpu.yield
    }) : () -> ()
    "tpu.region"() ({
      %run_scoped3A = tpu.sem_alloc : memref<!tpu.dma_semaphore, #tpu.memory_space<semaphore_mem>>
      tpu.enqueue_dma source(%arg3 : memref<10240xf32, #tpu.memory_space<hbm>>) target(%arg6 : memref<10240xf32, #tpu.memory_space<vmem>>) target_semaphore(%run_scoped3A : memref<!tpu.dma_semaphore, #tpu.memory_space<semaphore_mem>>)
      tpu.wait_dma2 semaphore(%run_scoped3A : memref<!tpu.dma_semaphore, #tpu.memory_space<semaphore_mem>>) src(%arg3 : memref<10240xf32, #tpu.memory_space<hbm>>) dst(%arg6 : memref<10240xf32, #tpu.memory_space<vmem>>)
      tpu.yield
    }) : () -> ()
    %broadcast_in_dim3A = arith.constant 1.000000e+00 : f32
    %broadcast_in_dim3A_3 = vector.broadcast %broadcast_in_dim3A : f32 to vector<16xf32>
    %scan3A = arith.constant 0 : i32
    %scan3A_4 = arith.constant 0 : i32
    %scan3A_5 = arith.constant 625 : i32
    %scan3A_6 = arith.addi %scan3A_4, %scan3A_5 : i32
    %scan3A_7 = arith.constant 1 : i32
    scf.for %scan3A_11 = %scan3A_4 to %scan3A_6 step %scan3A_7  : i32 {
      %mul3A_12 = arith.constant 16 : i32
      %mul3A_13 = arith.muli %scan3A_11, %mul3A_12 : i32
      %get3A = arith.index_cast %mul3A_13 : i32 to index
      %get3A_14 = tpu.vector_load %arg5[%get3A] {strides = array<i32>} : memref<10000xi32, #tpu.memory_space<vmem>>, vector<16xi32>,
      tpu.vector_store_idx %arg6[%get3A_14], %broadcast_in_dim3A_3 {add = true} : memref<10240xf32, #tpu.memory_space<vmem>>[vector<16xi32>], vector<16xf32>,
    }
    %scan3A_8 = arith.constant 625 : i32
    %mul3A_9 = arith.constant 10240 : i32
    %mul3A_10 = arith.muli %add3A, %mul3A_9 : i32
    "tpu.region"() ({
      %run_scoped3A = tpu.sem_alloc : memref<!tpu.dma_semaphore, #tpu.memory_space<semaphore_mem>>
      %dma_start3A = tpu.memref_slice %arg4[%mul3A_10] : memref<327680xf32, #tpu.memory_space<hbm>> -> memref<10240xf32, #tpu.memory_space<hbm>>
      %dma_start3A_11 = tpu.memref_slice %arg4[%mul3A_10] : memref<327680xf32, #tpu.memory_space<hbm>> -> memref<10240xf32, #tpu.memory_space<hbm>>
      tpu.enqueue_dma source(%arg6 : memref<10240xf32, #tpu.memory_space<vmem>>) target(%dma_start3A_11 : memref<10240xf32, #tpu.memory_space<hbm>>) target_semaphore(%run_scoped3A : memref<!tpu.dma_semaphore, #tpu.memory_space<semaphore_mem>>)
      %dma_wait3A = tpu.memref_slice %arg4[%mul3A_10] : memref<327680xf32, #tpu.memory_space<hbm>> -> memref<10240xf32, #tpu.memory_space<hbm>>
      %dma_wait3A_12 = tpu.memref_slice %arg4[%mul3A_10] : memref<327680xf32, #tpu.memory_space<hbm>> -> memref<10240xf32, #tpu.memory_space<hbm>>
      tpu.wait_dma2 semaphore(%run_scoped3A : memref<!tpu.dma_semaphore, #tpu.memory_space<semaphore_mem>>) src(%arg6 : memref<10240xf32, #tpu.memory_space<vmem>>) dst(%dma_wait3A_12 : memref<10240xf32, #tpu.memory_space<hbm>>)
      tpu.yield
    }) : () -> ()
    return
  }
}

#map = affine_map<(d0, d1) -> (0, 0)>
#map1 = affine_map<(d0, d1) -> (0)>
module attributes {stable_mosaic.version = 14 : i64} {
  func.func @sc_feat(%arg0: i32, %arg1: i32, %arg2: memref<10240x128xf32, #tpu.memory_space<hbm>>, %arg3: memref<320000xi32, #tpu.memory_space<hbm>>, %arg4: memref<320000xi32, #tpu.memory_space<hbm>>, %arg5: memref<10240x128xf32, #tpu.memory_space<hbm>>, %arg6: memref<20480x128xf32, #tpu.memory_space<hbm>>, %arg7: memref<160xi32, #tpu.memory_space<vmem>>, %arg8: memref<160xi32, #tpu.memory_space<vmem>>, %arg9: memref<160xi32, #tpu.memory_space<vmem>>, %arg10: memref<160xi32, #tpu.memory_space<vmem>>, %arg11: memref<80xi32, #tpu.memory_space<vmem>>, %arg12: memref<80xi32, #tpu.memory_space<vmem>>, %arg13: memref<160x128xf32, #tpu.memory_space<vmem>>, %arg14: memref<160x128xf32, #tpu.memory_space<vmem>>, %arg15: memref<10240x128xf32, #tpu.memory_space<vmem_shared>>, %arg16: memref<!tpu.dma_semaphore, #tpu.memory_space<semaphore_mem>>, %arg17: memref<!tpu.dma_semaphore, #tpu.memory_space<semaphore_mem>>) attributes {dimension_semantics = [#tpu.dimension_semantics<core_parallel>, #tpu.dimension_semantics<subcore_parallel>], iteration_bounds = array<i64: 2, 16>, scalar_prefetch = 0 : i64, scratch_operands = 11 : i64, tpu.core_type = #tpu.core_type<sc_vector_subcore>, window_params = [{transform_indices = #map}, {transform_indices = #map1}, {transform_indices = #map1}, {transform_indices = #map}, {transform_indices = #map}]} {
    %mul3A = arith.constant 2 : i32
    %mul3A_0 = arith.muli %arg1, %mul3A : i32
    %add3A = arith.addi %mul3A_0, %arg0 : i32
    %mul3A_1 = arith.constant 10000 : i32
    %mul3A_2 = arith.muli %add3A, %mul3A_1 : i32
    %mul3A_3 = arith.constant 640 : i32
    %mul3A_4 = arith.muli %arg1, %mul3A_3 : i32
    %mul3A_5 = arith.constant 640 : i32
    %mul3A_6 = arith.muli %arg1, %mul3A_5 : i32
    "tpu.region"() ({
      %run_scoped3A = tpu.sem_alloc : memref<!tpu.dma_semaphore, #tpu.memory_space<semaphore_mem>>
      %dma_start3A_60 = arith.constant 0 : i32
      %dma_start3A_61 = tpu.memref_slice %arg15[%mul3A_6, %dma_start3A_60] : memref<10240x128xf32, #tpu.memory_space<vmem_shared>> -> memref<640x128xf32, #tpu.memory_space<vmem_shared>>
      %dma_start3A_62 = arith.constant 0 : i32
      %dma_start3A_63 = tpu.memref_slice %arg5[%mul3A_4, %dma_start3A_62] : memref<10240x128xf32, #tpu.memory_space<hbm>> -> memref<640x128xf32, #tpu.memory_space<hbm>>
      tpu.enqueue_dma source(%dma_start3A_63 : memref<640x128xf32, #tpu.memory_space<hbm>>) target(%dma_start3A_61 : memref<640x128xf32, #tpu.memory_space<vmem_shared>>) target_semaphore(%run_scoped3A : memref<!tpu.dma_semaphore, #tpu.memory_space<semaphore_mem>>)
      %dma_wait3A_64 = arith.constant 0 : i32
      %dma_wait3A_65 = tpu.memref_slice %arg15[%mul3A_6, %dma_wait3A_64] : memref<10240x128xf32, #tpu.memory_space<vmem_shared>> -> memref<640x128xf32, #tpu.memory_space<vmem_shared>>
      %dma_wait3A_66 = arith.constant 0 : i32
      %dma_wait3A_67 = tpu.memref_slice %arg5[%mul3A_4, %dma_wait3A_66] : memref<10240x128xf32, #tpu.memory_space<hbm>> -> memref<640x128xf32, #tpu.memory_space<hbm>>
      tpu.wait_dma2 semaphore(%run_scoped3A : memref<!tpu.dma_semaphore, #tpu.memory_space<semaphore_mem>>) src(%dma_wait3A_67 : memref<640x128xf32, #tpu.memory_space<hbm>>) dst(%dma_wait3A_65 : memref<640x128xf32, #tpu.memory_space<vmem_shared>>)
      tpu.yield
    }) : () -> ()
    %barrier3A = arith.constant 0 : index
    tpu.barrier barrier_id(%barrier3A)
    %add3A_7 = arith.constant 0 : i32
    %add3A_8 = arith.addi %mul3A_2, %add3A_7 : i32
    "tpu.region"() ({
      %run_scoped3A = tpu.sem_alloc : memref<!tpu.dma_semaphore, #tpu.memory_space<semaphore_mem>>
      %dma_start3A_60 = tpu.memref_slice %arg3[%add3A_8] : memref<320000xi32, #tpu.memory_space<hbm>> -> memref<160xi32, #tpu.memory_space<hbm>>
      %dma_start3A_61 = tpu.memref_slice %arg3[%add3A_8] : memref<320000xi32, #tpu.memory_space<hbm>> -> memref<160xi32, #tpu.memory_space<hbm>>
      tpu.enqueue_dma source(%dma_start3A_61 : memref<160xi32, #tpu.memory_space<hbm>>) target(%arg7 : memref<160xi32, #tpu.memory_space<vmem>>) target_semaphore(%run_scoped3A : memref<!tpu.dma_semaphore, #tpu.memory_space<semaphore_mem>>)
      %dma_wait3A_62 = tpu.memref_slice %arg3[%add3A_8] : memref<320000xi32, #tpu.memory_space<hbm>> -> memref<160xi32, #tpu.memory_space<hbm>>
      %dma_wait3A_63 = tpu.memref_slice %arg3[%add3A_8] : memref<320000xi32, #tpu.memory_space<hbm>> -> memref<160xi32, #tpu.memory_space<hbm>>
      tpu.wait_dma2 semaphore(%run_scoped3A : memref<!tpu.dma_semaphore, #tpu.memory_space<semaphore_mem>>) src(%dma_wait3A_63 : memref<160xi32, #tpu.memory_space<hbm>>) dst(%arg7 : memref<160xi32, #tpu.memory_space<vmem>>)
      tpu.yield
    }) : () -> ()
    "tpu.region"() ({
      %run_scoped3A = tpu.sem_alloc : memref<!tpu.dma_semaphore, #tpu.memory_space<semaphore_mem>>
      %dma_start3A_60 = tpu.memref_slice %arg4[%add3A_8] : memref<320000xi32, #tpu.memory_space<hbm>> -> memref<160xi32, #tpu.memory_space<hbm>>
      %dma_start3A_61 = tpu.memref_slice %arg4[%add3A_8] : memref<320000xi32, #tpu.memory_space<hbm>> -> memref<160xi32, #tpu.memory_space<hbm>>
      tpu.enqueue_dma source(%dma_start3A_61 : memref<160xi32, #tpu.memory_space<hbm>>) target(%arg8 : memref<160xi32, #tpu.memory_space<vmem>>) target_semaphore(%run_scoped3A : memref<!tpu.dma_semaphore, #tpu.memory_space<semaphore_mem>>)
      %dma_wait3A_62 = tpu.memref_slice %arg4[%add3A_8] : memref<320000xi32, #tpu.memory_space<hbm>> -> memref<160xi32, #tpu.memory_space<hbm>>
      %dma_wait3A_63 = tpu.memref_slice %arg4[%add3A_8] : memref<320000xi32, #tpu.memory_space<hbm>> -> memref<160xi32, #tpu.memory_space<hbm>>
      tpu.wait_dma2 semaphore(%run_scoped3A : memref<!tpu.dma_semaphore, #tpu.memory_space<semaphore_mem>>) src(%dma_wait3A_63 : memref<160xi32, #tpu.memory_space<hbm>>) dst(%arg8 : memref<160xi32, #tpu.memory_space<vmem>>)
      tpu.yield
    }) : () -> ()
    %dma_start3A = arith.constant 0 : i32
    %dma_start3A_9 = arith.constant 0 : i32
    %dma_start3A_10 = tpu.memref_slice %arg2[%dma_start3A, %dma_start3A_9] : memref<10240x128xf32, #tpu.memory_space<hbm>> -> memref<10240x128xf32, #tpu.memory_space<hbm>>
    tpu.enqueue_indirect_dma source(%dma_start3A_10 : memref<10240x128xf32, #tpu.memory_space<hbm>>) target(%arg13 : memref<160x128xf32, #tpu.memory_space<vmem>>) offsets(%arg7 : memref<160xi32, #tpu.memory_space<vmem>>) semaphore(%arg16 : memref<!tpu.dma_semaphore, #tpu.memory_space<semaphore_mem>>)
    %dma_wait3A = arith.constant 0 : i32
    %dma_wait3A_11 = arith.constant 0 : i32
    %dma_wait3A_12 = tpu.memref_slice %arg2[%dma_wait3A, %dma_wait3A_11] : memref<10240x128xf32, #tpu.memory_space<hbm>> -> memref<10240x128xf32, #tpu.memory_space<hbm>>
    tpu.wait_indirect_dma semaphore(%arg16 : memref<!tpu.dma_semaphore, #tpu.memory_space<semaphore_mem>>) src(%dma_wait3A_12 : memref<10240x128xf32, #tpu.memory_space<hbm>>) dst(%arg13 : memref<160x128xf32, #tpu.memory_space<vmem>>)
    %dma_start3A_13 = arith.constant 0 : i32
    %dma_start3A_14 = arith.constant 0 : i32
    %dma_start3A_15 = tpu.memref_slice %arg15[%dma_start3A_13, %dma_start3A_14] : memref<10240x128xf32, #tpu.memory_space<vmem_shared>> -> memref<10240x128xf32, #tpu.memory_space<vmem_shared>>
    tpu.enqueue_indirect_dma source(%arg13 : memref<160x128xf32, #tpu.memory_space<vmem>>) target(%dma_start3A_15 : memref<10240x128xf32, #tpu.memory_space<vmem_shared>>) offsets(%arg8 : memref<160xi32, #tpu.memory_space<vmem>>) semaphore(%arg17 : memref<!tpu.dma_semaphore, #tpu.memory_space<semaphore_mem>>) {add = true}
    %add3A_16 = arith.constant 160 : i32
    %add3A_17 = arith.addi %mul3A_2, %add3A_16 : i32
    "tpu.region"() ({
      %run_scoped3A = tpu.sem_alloc : memref<!tpu.dma_semaphore, #tpu.memory_space<semaphore_mem>>
      %dma_start3A_60 = tpu.memref_slice %arg3[%add3A_17] : memref<320000xi32, #tpu.memory_space<hbm>> -> memref<160xi32, #tpu.memory_space<hbm>>
      %dma_start3A_61 = tpu.memref_slice %arg3[%add3A_17] : memref<320000xi32, #tpu.memory_space<hbm>> -> memref<160xi32, #tpu.memory_space<hbm>>
      tpu.enqueue_dma source(%dma_start3A_61 : memref<160xi32, #tpu.memory_space<hbm>>) target(%arg9 : memref<160xi32, #tpu.memory_space<vmem>>) target_semaphore(%run_scoped3A : memref<!tpu.dma_semaphore, #tpu.memory_space<semaphore_mem>>)
      %dma_wait3A_62 = tpu.memref_slice %arg3[%add3A_17] : memref<320000xi32, #tpu.memory_space<hbm>> -> memref<160xi32, #tpu.memory_space<hbm>>
      %dma_wait3A_63 = tpu.memref_slice %arg3[%add3A_17] : memref<320000xi32, #tpu.memory_space<hbm>> -> memref<160xi32, #tpu.memory_space<hbm>>
      tpu.wait_dma2 semaphore(%run_scoped3A : memref<!tpu.dma_semaphore, #tpu.memory_space<semaphore_mem>>) src(%dma_wait3A_63 : memref<160xi32, #tpu.memory_space<hbm>>) dst(%arg9 : memref<160xi32, #tpu.memory_space<vmem>>)
      tpu.yield
    }) : () -> ()
    "tpu.region"() ({
      %run_scoped3A = tpu.sem_alloc : memref<!tpu.dma_semaphore, #tpu.memory_space<semaphore_mem>>
      %dma_start3A_60 = tpu.memref_slice %arg4[%add3A_17] : memref<320000xi32, #tpu.memory_space<hbm>> -> memref<160xi32, #tpu.memory_space<hbm>>
      %dma_start3A_61 = tpu.memref_slice %arg4[%add3A_17] : memref<320000xi32, #tpu.memory_space<hbm>> -> memref<160xi32, #tpu.memory_space<hbm>>
      tpu.enqueue_dma source(%dma_start3A_61 : memref<160xi32, #tpu.memory_space<hbm>>) target(%arg10 : memref<160xi32, #tpu.memory_space<vmem>>) target_semaphore(%run_scoped3A : memref<!tpu.dma_semaphore, #tpu.memory_space<semaphore_mem>>)
      %dma_wait3A_62 = tpu.memref_slice %arg4[%add3A_17] : memref<320000xi32, #tpu.memory_space<hbm>> -> memref<160xi32, #tpu.memory_space<hbm>>
      %dma_wait3A_63 = tpu.memref_slice %arg4[%add3A_17] : memref<320000xi32, #tpu.memory_space<hbm>> -> memref<160xi32, #tpu.memory_space<hbm>>
      tpu.wait_dma2 semaphore(%run_scoped3A : memref<!tpu.dma_semaphore, #tpu.memory_space<semaphore_mem>>) src(%dma_wait3A_63 : memref<160xi32, #tpu.memory_space<hbm>>) dst(%arg10 : memref<160xi32, #tpu.memory_space<vmem>>)
      tpu.yield
    }) : () -> ()
    %dma_start3A_18 = arith.constant 0 : i32
    %dma_start3A_19 = arith.constant 0 : i32
    %dma_start3A_20 = tpu.memref_slice %arg2[%dma_start3A_18, %dma_start3A_19] : memref<10240x128xf32, #tpu.memory_space<hbm>> -> memref<10240x128xf32, #tpu.memory_space<hbm>>
    tpu.enqueue_indirect_dma source(%dma_start3A_20 : memref<10240x128xf32, #tpu.memory_space<hbm>>) target(%arg14 : memref<160x128xf32, #tpu.memory_space<vmem>>) offsets(%arg9 : memref<160xi32, #tpu.memory_space<vmem>>) semaphore(%arg16 : memref<!tpu.dma_semaphore, #tpu.memory_space<semaphore_mem>>)
    %dma_wait3A_21 = arith.constant 0 : i32
    %dma_wait3A_22 = arith.constant 0 : i32
    %dma_wait3A_23 = tpu.memref_slice %arg2[%dma_wait3A_21, %dma_wait3A_22] : memref<10240x128xf32, #tpu.memory_space<hbm>> -> memref<10240x128xf32, #tpu.memory_space<hbm>>
    tpu.wait_indirect_dma semaphore(%arg16 : memref<!tpu.dma_semaphore, #tpu.memory_space<semaphore_mem>>) src(%dma_wait3A_23 : memref<10240x128xf32, #tpu.memory_space<hbm>>) dst(%arg14 : memref<160x128xf32, #tpu.memory_space<vmem>>)
    %dma_start3A_24 = arith.constant 0 : i32
    %dma_start3A_25 = arith.constant 0 : i32
    %dma_start3A_26 = tpu.memref_slice %arg15[%dma_start3A_24, %dma_start3A_25] : memref<10240x128xf32, #tpu.memory_space<vmem_shared>> -> memref<10240x128xf32, #tpu.memory_space<vmem_shared>>
    tpu.enqueue_indirect_dma source(%arg14 : memref<160x128xf32, #tpu.memory_space<vmem>>) target(%dma_start3A_26 : memref<10240x128xf32, #tpu.memory_space<vmem_shared>>) offsets(%arg10 : memref<160xi32, #tpu.memory_space<vmem>>) semaphore(%arg17 : memref<!tpu.dma_semaphore, #tpu.memory_space<semaphore_mem>>) {add = true}
    %scan3A = arith.constant 0 : i32
    %scan3A_27 = arith.constant 1 : i32
    %scan3A_28 = arith.constant 30 : i32
    %scan3A_29 = arith.addi %scan3A_27, %scan3A_28 : i32
    %scan3A_30 = arith.constant 1 : i32
    scf.for %scan3A_60 = %scan3A_27 to %scan3A_29 step %scan3A_30  : i32 {
      %mul3A_61 = arith.constant 2 : i32
      %mul3A_62 = arith.muli %mul3A_61, %scan3A_60 : i32
      %dma_wait3A_63 = arith.constant 0 : i32
      %dma_wait3A_64 = arith.constant 0 : i32
      %dma_wait3A_65 = tpu.memref_slice %arg15[%dma_wait3A_63, %dma_wait3A_64] : memref<10240x128xf32, #tpu.memory_space<vmem_shared>> -> memref<10240x128xf32, #tpu.memory_space<vmem_shared>>
      tpu.wait_indirect_dma semaphore(%arg17 : memref<!tpu.dma_semaphore, #tpu.memory_space<semaphore_mem>>) src(%arg13 : memref<160x128xf32, #tpu.memory_space<vmem>>) dst(%dma_wait3A_65 : memref<10240x128xf32, #tpu.memory_space<vmem_shared>>)
      %mul3A_66 = arith.constant 160 : i32
      %mul3A_67 = arith.muli %mul3A_62, %mul3A_66 : i32
      %add3A_68 = arith.addi %mul3A_2, %mul3A_67 : i32
      "tpu.region"() ({
        %run_scoped3A = tpu.sem_alloc : memref<!tpu.dma_semaphore, #tpu.memory_space<semaphore_mem>>
        %dma_start3A_95 = tpu.memref_slice %arg3[%add3A_68] : memref<320000xi32, #tpu.memory_space<hbm>> -> memref<160xi32, #tpu.memory_space<hbm>>
        %dma_start3A_96 = tpu.memref_slice %arg3[%add3A_68] : memref<320000xi32, #tpu.memory_space<hbm>> -> memref<160xi32, #tpu.memory_space<hbm>>
        tpu.enqueue_dma source(%dma_start3A_96 : memref<160xi32, #tpu.memory_space<hbm>>) target(%arg7 : memref<160xi32, #tpu.memory_space<vmem>>) target_semaphore(%run_scoped3A : memref<!tpu.dma_semaphore, #tpu.memory_space<semaphore_mem>>)
        %dma_wait3A_97 = tpu.memref_slice %arg3[%add3A_68] : memref<320000xi32, #tpu.memory_space<hbm>> -> memref<160xi32, #tpu.memory_space<hbm>>
        %dma_wait3A_98 = tpu.memref_slice %arg3[%add3A_68] : memref<320000xi32, #tpu.memory_space<hbm>> -> memref<160xi32, #tpu.memory_space<hbm>>
        tpu.wait_dma2 semaphore(%run_scoped3A : memref<!tpu.dma_semaphore, #tpu.memory_space<semaphore_mem>>) src(%dma_wait3A_98 : memref<160xi32, #tpu.memory_space<hbm>>) dst(%arg7 : memref<160xi32, #tpu.memory_space<vmem>>)
        tpu.yield
      }) : () -> ()
      "tpu.region"() ({
        %run_scoped3A = tpu.sem_alloc : memref<!tpu.dma_semaphore, #tpu.memory_space<semaphore_mem>>
        %dma_start3A_95 = tpu.memref_slice %arg4[%add3A_68] : memref<320000xi32, #tpu.memory_space<hbm>> -> memref<160xi32, #tpu.memory_space<hbm>>
        %dma_start3A_96 = tpu.memref_slice %arg4[%add3A_68] : memref<320000xi32, #tpu.memory_space<hbm>> -> memref<160xi32, #tpu.memory_space<hbm>>
        tpu.enqueue_dma source(%dma_start3A_96 : memref<160xi32, #tpu.memory_space<hbm>>) target(%arg8 : memref<160xi32, #tpu.memory_space<vmem>>) target_semaphore(%run_scoped3A : memref<!tpu.dma_semaphore, #tpu.memory_space<semaphore_mem>>)
        %dma_wait3A_97 = tpu.memref_slice %arg4[%add3A_68] : memref<320000xi32, #tpu.memory_space<hbm>> -> memref<160xi32, #tpu.memory_space<hbm>>
        %dma_wait3A_98 = tpu.memref_slice %arg4[%add3A_68] : memref<320000xi32, #tpu.memory_space<hbm>> -> memref<160xi32, #tpu.memory_space<hbm>>
        tpu.wait_dma2 semaphore(%run_scoped3A : memref<!tpu.dma_semaphore, #tpu.memory_space<semaphore_mem>>) src(%dma_wait3A_98 : memref<160xi32, #tpu.memory_space<hbm>>) dst(%arg8 : memref<160xi32, #tpu.memory_space<vmem>>)
        tpu.yield
      }) : () -> ()
      %dma_start3A_69 = arith.constant 0 : i32
      %dma_start3A_70 = arith.constant 0 : i32
      %dma_start3A_71 = tpu.memref_slice %arg2[%dma_start3A_69, %dma_start3A_70] : memref<10240x128xf32, #tpu.memory_space<hbm>> -> memref<10240x128xf32, #tpu.memory_space<hbm>>
      tpu.enqueue_indirect_dma source(%dma_start3A_71 : memref<10240x128xf32, #tpu.memory_space<hbm>>) target(%arg13 : memref<160x128xf32, #tpu.memory_space<vmem>>) offsets(%arg7 : memref<160xi32, #tpu.memory_space<vmem>>) semaphore(%arg16 : memref<!tpu.dma_semaphore, #tpu.memory_space<semaphore_mem>>)
      %dma_wait3A_72 = arith.constant 0 : i32
      %dma_wait3A_73 = arith.constant 0 : i32
      %dma_wait3A_74 = tpu.memref_slice %arg2[%dma_wait3A_72, %dma_wait3A_73] : memref<10240x128xf32, #tpu.memory_space<hbm>> -> memref<10240x128xf32, #tpu.memory_space<hbm>>
      tpu.wait_indirect_dma semaphore(%arg16 : memref<!tpu.dma_semaphore, #tpu.memory_space<semaphore_mem>>) src(%dma_wait3A_74 : memref<10240x128xf32, #tpu.memory_space<hbm>>) dst(%arg13 : memref<160x128xf32, #tpu.memory_space<vmem>>)
      %dma_start3A_75 = arith.constant 0 : i32
      %dma_start3A_76 = arith.constant 0 : i32
      %dma_start3A_77 = tpu.memref_slice %arg15[%dma_start3A_75, %dma_start3A_76] : memref<10240x128xf32, #tpu.memory_space<vmem_shared>> -> memref<10240x128xf32, #tpu.memory_space<vmem_shared>>
      tpu.enqueue_indirect_dma source(%arg13 : memref<160x128xf32, #tpu.memory_space<vmem>>) target(%dma_start3A_77 : memref<10240x128xf32, #tpu.memory_space<vmem_shared>>) offsets(%arg8 : memref<160xi32, #tpu.memory_space<vmem>>) semaphore(%arg17 : memref<!tpu.dma_semaphore, #tpu.memory_space<semaphore_mem>>) {add = true}
      %dma_wait3A_78 = arith.constant 0 : i32
      %dma_wait3A_79 = arith.constant 0 : i32
      %dma_wait3A_80 = tpu.memref_slice %arg15[%dma_wait3A_78, %dma_wait3A_79] : memref<10240x128xf32, #tpu.memory_space<vmem_shared>> -> memref<10240x128xf32, #tpu.memory_space<vmem_shared>>
      tpu.wait_indirect_dma semaphore(%arg17 : memref<!tpu.dma_semaphore, #tpu.memory_space<semaphore_mem>>) src(%arg14 : memref<160x128xf32, #tpu.memory_space<vmem>>) dst(%dma_wait3A_80 : memref<10240x128xf32, #tpu.memory_space<vmem_shared>>)
      %add3A_81 = arith.constant 1 : i32
      %add3A_82 = arith.addi %mul3A_62, %add3A_81 : i32
      %mul3A_83 = arith.constant 160 : i32
      %mul3A_84 = arith.muli %add3A_82, %mul3A_83 : i32
      %add3A_85 = arith.addi %mul3A_2, %mul3A_84 : i32
      "tpu.region"() ({
        %run_scoped3A = tpu.sem_alloc : memref<!tpu.dma_semaphore, #tpu.memory_space<semaphore_mem>>
        %dma_start3A_95 = tpu.memref_slice %arg3[%add3A_85] : memref<320000xi32, #tpu.memory_space<hbm>> -> memref<160xi32, #tpu.memory_space<hbm>>
        %dma_start3A_96 = tpu.memref_slice %arg3[%add3A_85] : memref<320000xi32, #tpu.memory_space<hbm>> -> memref<160xi32, #tpu.memory_space<hbm>>
        tpu.enqueue_dma source(%dma_start3A_96 : memref<160xi32, #tpu.memory_space<hbm>>) target(%arg9 : memref<160xi32, #tpu.memory_space<vmem>>) target_semaphore(%run_scoped3A : memref<!tpu.dma_semaphore, #tpu.memory_space<semaphore_mem>>)
        %dma_wait3A_97 = tpu.memref_slice %arg3[%add3A_85] : memref<320000xi32, #tpu.memory_space<hbm>> -> memref<160xi32, #tpu.memory_space<hbm>>
        %dma_wait3A_98 = tpu.memref_slice %arg3[%add3A_85] : memref<320000xi32, #tpu.memory_space<hbm>> -> memref<160xi32, #tpu.memory_space<hbm>>
        tpu.wait_dma2 semaphore(%run_scoped3A : memref<!tpu.dma_semaphore, #tpu.memory_space<semaphore_mem>>) src(%dma_wait3A_98 : memref<160xi32, #tpu.memory_space<hbm>>) dst(%arg9 : memref<160xi32, #tpu.memory_space<vmem>>)
        tpu.yield
      }) : () -> ()
      "tpu.region"() ({
        %run_scoped3A = tpu.sem_alloc : memref<!tpu.dma_semaphore, #tpu.memory_space<semaphore_mem>>
        %dma_start3A_95 = tpu.memref_slice %arg4[%add3A_85] : memref<320000xi32, #tpu.memory_space<hbm>> -> memref<160xi32, #tpu.memory_space<hbm>>
        %dma_start3A_96 = tpu.memref_slice %arg4[%add3A_85] : memref<320000xi32, #tpu.memory_space<hbm>> -> memref<160xi32, #tpu.memory_space<hbm>>
        tpu.enqueue_dma source(%dma_start3A_96 : memref<160xi32, #tpu.memory_space<hbm>>) target(%arg10 : memref<160xi32, #tpu.memory_space<vmem>>) target_semaphore(%run_scoped3A : memref<!tpu.dma_semaphore, #tpu.memory_space<semaphore_mem>>)
        %dma_wait3A_97 = tpu.memref_slice %arg4[%add3A_85] : memref<320000xi32, #tpu.memory_space<hbm>> -> memref<160xi32, #tpu.memory_space<hbm>>
        %dma_wait3A_98 = tpu.memref_slice %arg4[%add3A_85] : memref<320000xi32, #tpu.memory_space<hbm>> -> memref<160xi32, #tpu.memory_space<hbm>>
        tpu.wait_dma2 semaphore(%run_scoped3A : memref<!tpu.dma_semaphore, #tpu.memory_space<semaphore_mem>>) src(%dma_wait3A_98 : memref<160xi32, #tpu.memory_space<hbm>>) dst(%arg10 : memref<160xi32, #tpu.memory_space<vmem>>)
        tpu.yield
      }) : () -> ()
      %dma_start3A_86 = arith.constant 0 : i32
      %dma_start3A_87 = arith.constant 0 : i32
      %dma_start3A_88 = tpu.memref_slice %arg2[%dma_start3A_86, %dma_start3A_87] : memref<10240x128xf32, #tpu.memory_space<hbm>> -> memref<10240x128xf32, #tpu.memory_space<hbm>>
      tpu.enqueue_indirect_dma source(%dma_start3A_88 : memref<10240x128xf32, #tpu.memory_space<hbm>>) target(%arg14 : memref<160x128xf32, #tpu.memory_space<vmem>>) offsets(%arg9 : memref<160xi32, #tpu.memory_space<vmem>>) semaphore(%arg16 : memref<!tpu.dma_semaphore, #tpu.memory_space<semaphore_mem>>)
      %dma_wait3A_89 = arith.constant 0 : i32
      %dma_wait3A_90 = arith.constant 0 : i32
      %dma_wait3A_91 = tpu.memref_slice %arg2[%dma_wait3A_89, %dma_wait3A_90] : memref<10240x128xf32, #tpu.memory_space<hbm>> -> memref<10240x128xf32, #tpu.memory_space<hbm>>
      tpu.wait_indirect_dma semaphore(%arg16 : memref<!tpu.dma_semaphore, #tpu.memory_space<semaphore_mem>>) src(%dma_wait3A_91 : memref<10240x128xf32, #tpu.memory_space<hbm>>) dst(%arg14 : memref<160x128xf32, #tpu.memory_space<vmem>>)
      %dma_start3A_92 = arith.constant 0 : i32
      %dma_start3A_93 = arith.constant 0 : i32
      %dma_start3A_94 = tpu.memref_slice %arg15[%dma_start3A_92, %dma_start3A_93] : memref<10240x128xf32, #tpu.memory_space<vmem_shared>> -> memref<10240x128xf32, #tpu.memory_space<vmem_shared>>
      tpu.enqueue_indirect_dma source(%arg14 : memref<160x128xf32, #tpu.memory_space<vmem>>) target(%dma_start3A_94 : memref<10240x128xf32, #tpu.memory_space<vmem_shared>>) offsets(%arg10 : memref<160xi32, #tpu.memory_space<vmem>>) semaphore(%arg17 : memref<!tpu.dma_semaphore, #tpu.memory_space<semaphore_mem>>) {add = true}
    }
    %scan3A_31 = arith.constant 30 : i32
    %dma_wait3A_32 = arith.constant 0 : i32
    %dma_wait3A_33 = arith.constant 0 : i32
    %dma_wait3A_34 = tpu.memref_slice %arg15[%dma_wait3A_32, %dma_wait3A_33] : memref<10240x128xf32, #tpu.memory_space<vmem_shared>> -> memref<10240x128xf32, #tpu.memory_space<vmem_shared>>
    tpu.wait_indirect_dma semaphore(%arg17 : memref<!tpu.dma_semaphore, #tpu.memory_space<semaphore_mem>>) src(%arg13 : memref<160x128xf32, #tpu.memory_space<vmem>>) dst(%dma_wait3A_34 : memref<10240x128xf32, #tpu.memory_space<vmem_shared>>)
    %dma_wait3A_35 = arith.constant 0 : i32
    %dma_wait3A_36 = arith.constant 0 : i32
    %dma_wait3A_37 = tpu.memref_slice %arg15[%dma_wait3A_35, %dma_wait3A_36] : memref<10240x128xf32, #tpu.memory_space<vmem_shared>> -> memref<10240x128xf32, #tpu.memory_space<vmem_shared>>
    tpu.wait_indirect_dma semaphore(%arg17 : memref<!tpu.dma_semaphore, #tpu.memory_space<semaphore_mem>>) src(%arg14 : memref<160x128xf32, #tpu.memory_space<vmem>>) dst(%dma_wait3A_37 : memref<10240x128xf32, #tpu.memory_space<vmem_shared>>)
    %add3A_38 = arith.constant 9920 : i32
    %add3A_39 = arith.addi %mul3A_2, %add3A_38 : i32
    "tpu.region"() ({
      %run_scoped3A = tpu.sem_alloc : memref<!tpu.dma_semaphore, #tpu.memory_space<semaphore_mem>>
      %dma_start3A_60 = tpu.memref_slice %arg3[%add3A_39] : memref<320000xi32, #tpu.memory_space<hbm>> -> memref<80xi32, #tpu.memory_space<hbm>>
      %dma_start3A_61 = tpu.memref_slice %arg3[%add3A_39] : memref<320000xi32, #tpu.memory_space<hbm>> -> memref<80xi32, #tpu.memory_space<hbm>>
      tpu.enqueue_dma source(%dma_start3A_61 : memref<80xi32, #tpu.memory_space<hbm>>) target(%arg11 : memref<80xi32, #tpu.memory_space<vmem>>) target_semaphore(%run_scoped3A : memref<!tpu.dma_semaphore, #tpu.memory_space<semaphore_mem>>)
      %dma_wait3A_62 = tpu.memref_slice %arg3[%add3A_39] : memref<320000xi32, #tpu.memory_space<hbm>> -> memref<80xi32, #tpu.memory_space<hbm>>
      %dma_wait3A_63 = tpu.memref_slice %arg3[%add3A_39] : memref<320000xi32, #tpu.memory_space<hbm>> -> memref<80xi32, #tpu.memory_space<hbm>>
      tpu.wait_dma2 semaphore(%run_scoped3A : memref<!tpu.dma_semaphore, #tpu.memory_space<semaphore_mem>>) src(%dma_wait3A_63 : memref<80xi32, #tpu.memory_space<hbm>>) dst(%arg11 : memref<80xi32, #tpu.memory_space<vmem>>)
      tpu.yield
    }) : () -> ()
    "tpu.region"() ({
      %run_scoped3A = tpu.sem_alloc : memref<!tpu.dma_semaphore, #tpu.memory_space<semaphore_mem>>
      %dma_start3A_60 = tpu.memref_slice %arg4[%add3A_39] : memref<320000xi32, #tpu.memory_space<hbm>> -> memref<80xi32, #tpu.memory_space<hbm>>
      %dma_start3A_61 = tpu.memref_slice %arg4[%add3A_39] : memref<320000xi32, #tpu.memory_space<hbm>> -> memref<80xi32, #tpu.memory_space<hbm>>
      tpu.enqueue_dma source(%dma_start3A_61 : memref<80xi32, #tpu.memory_space<hbm>>) target(%arg12 : memref<80xi32, #tpu.memory_space<vmem>>) target_semaphore(%run_scoped3A : memref<!tpu.dma_semaphore, #tpu.memory_space<semaphore_mem>>)
      %dma_wait3A_62 = tpu.memref_slice %arg4[%add3A_39] : memref<320000xi32, #tpu.memory_space<hbm>> -> memref<80xi32, #tpu.memory_space<hbm>>
      %dma_wait3A_63 = tpu.memref_slice %arg4[%add3A_39] : memref<320000xi32, #tpu.memory_space<hbm>> -> memref<80xi32, #tpu.memory_space<hbm>>
      tpu.wait_dma2 semaphore(%run_scoped3A : memref<!tpu.dma_semaphore, #tpu.memory_space<semaphore_mem>>) src(%dma_wait3A_63 : memref<80xi32, #tpu.memory_space<hbm>>) dst(%arg12 : memref<80xi32, #tpu.memory_space<vmem>>)
      tpu.yield
    }) : () -> ()
    %dma_start3A_40 = arith.constant 0 : i32
    %dma_start3A_41 = arith.constant 0 : i32
    %dma_start3A_42 = tpu.memref_slice %arg13[%dma_start3A_40, %dma_start3A_41] : memref<160x128xf32, #tpu.memory_space<vmem>> -> memref<80x128xf32, #tpu.memory_space<vmem>>
    %dma_start3A_43 = arith.constant 0 : i32
    %dma_start3A_44 = arith.constant 0 : i32
    %dma_start3A_45 = tpu.memref_slice %arg2[%dma_start3A_43, %dma_start3A_44] : memref<10240x128xf32, #tpu.memory_space<hbm>> -> memref<10240x128xf32, #tpu.memory_space<hbm>>
    tpu.enqueue_indirect_dma source(%dma_start3A_45 : memref<10240x128xf32, #tpu.memory_space<hbm>>) target(%dma_start3A_42 : memref<80x128xf32, #tpu.memory_space<vmem>>) offsets(%arg11 : memref<80xi32, #tpu.memory_space<vmem>>) semaphore(%arg16 : memref<!tpu.dma_semaphore, #tpu.memory_space<semaphore_mem>>)
    %dma_wait3A_46 = arith.constant 0 : i32
    %dma_wait3A_47 = arith.constant 0 : i32
    %dma_wait3A_48 = tpu.memref_slice %arg13[%dma_wait3A_46, %dma_wait3A_47] : memref<160x128xf32, #tpu.memory_space<vmem>> -> memref<80x128xf32, #tpu.memory_space<vmem>>
    %dma_wait3A_49 = arith.constant 0 : i32
    %dma_wait3A_50 = arith.constant 0 : i32
    %dma_wait3A_51 = tpu.memref_slice %arg2[%dma_wait3A_49, %dma_wait3A_50] : memref<10240x128xf32, #tpu.memory_space<hbm>> -> memref<10240x128xf32, #tpu.memory_space<hbm>>
    tpu.wait_indirect_dma semaphore(%arg16 : memref<!tpu.dma_semaphore, #tpu.memory_space<semaphore_mem>>) src(%dma_wait3A_51 : memref<10240x128xf32, #tpu.memory_space<hbm>>) dst(%dma_wait3A_48 : memref<80x128xf32, #tpu.memory_space<vmem>>)
    "tpu.region"() ({
      %run_scoped3A = tpu.sem_alloc : memref<!tpu.dma_semaphore, #tpu.memory_space<semaphore_mem>>
      %dma_start3A_60 = arith.constant 0 : i32
      %dma_start3A_61 = arith.constant 0 : i32
      %dma_start3A_62 = tpu.memref_slice %arg13[%dma_start3A_60, %dma_start3A_61] : memref<160x128xf32, #tpu.memory_space<vmem>> -> memref<80x128xf32, #tpu.memory_space<vmem>>
      %dma_start3A_63 = arith.constant 0 : i32
      %dma_start3A_64 = arith.constant 0 : i32
      %dma_start3A_65 = tpu.memref_slice %arg15[%dma_start3A_63, %dma_start3A_64] : memref<10240x128xf32, #tpu.memory_space<vmem_shared>> -> memref<10240x128xf32, #tpu.memory_space<vmem_shared>>
      tpu.enqueue_indirect_dma source(%dma_start3A_62 : memref<80x128xf32, #tpu.memory_space<vmem>>) target(%dma_start3A_65 : memref<10240x128xf32, #tpu.memory_space<vmem_shared>>) offsets(%arg12 : memref<80xi32, #tpu.memory_space<vmem>>) semaphore(%run_scoped3A : memref<!tpu.dma_semaphore, #tpu.memory_space<semaphore_mem>>) {add = true}
      %dma_wait3A_66 = arith.constant 0 : i32
      %dma_wait3A_67 = arith.constant 0 : i32
      %dma_wait3A_68 = tpu.memref_slice %arg13[%dma_wait3A_66, %dma_wait3A_67] : memref<160x128xf32, #tpu.memory_space<vmem>> -> memref<80x128xf32, #tpu.memory_space<vmem>>
      %dma_wait3A_69 = arith.constant 0 : i32
      %dma_wait3A_70 = arith.constant 0 : i32
      %dma_wait3A_71 = tpu.memref_slice %arg15[%dma_wait3A_69, %dma_wait3A_70] : memref<10240x128xf32, #tpu.memory_space<vmem_shared>> -> memref<10240x128xf32, #tpu.memory_space<vmem_shared>>
      tpu.wait_indirect_dma semaphore(%run_scoped3A : memref<!tpu.dma_semaphore, #tpu.memory_space<semaphore_mem>>) src(%dma_wait3A_68 : memref<80x128xf32, #tpu.memory_space<vmem>>) dst(%dma_wait3A_71 : memref<10240x128xf32, #tpu.memory_space<vmem_shared>>)
      tpu.yield
    }) : () -> ()
    %barrier3A_52 = arith.constant 0 : index
    tpu.barrier barrier_id(%barrier3A_52)
    %mul3A_53 = arith.constant 640 : i32
    %mul3A_54 = arith.muli %arg1, %mul3A_53 : i32
    %mul3A_55 = arith.constant 10240 : i32
    %mul3A_56 = arith.muli %arg0, %mul3A_55 : i32
    %mul3A_57 = arith.constant 640 : i32
    %mul3A_58 = arith.muli %arg1, %mul3A_57 : i32
    %add3A_59 = arith.addi %mul3A_56, %mul3A_58 : i32
    "tpu.region"() ({
      %run_scoped3A = tpu.sem_alloc : memref<!tpu.dma_semaphore, #tpu.memory_space<semaphore_mem>>
      %dma_start3A_60 = arith.constant 0 : i32
      %dma_start3A_61 = tpu.memref_slice %arg6[%add3A_59, %dma_start3A_60] : memref<20480x128xf32, #tpu.memory_space<hbm>> -> memref<640x128xf32, #tpu.memory_space<hbm>>
      %dma_start3A_62 = arith.constant 0 : i32
      %dma_start3A_63 = tpu.memref_slice %arg15[%mul3A_54, %dma_start3A_62] : memref<10240x128xf32, #tpu.memory_space<vmem_shared>> -> memref<640x128xf32, #tpu.memory_space<vmem_shared>>
      tpu.enqueue_dma source(%dma_start3A_63 : memref<640x128xf32, #tpu.memory_space<vmem_shared>>) target(%dma_start3A_61 : memref<640x128xf32, #tpu.memory_space<hbm>>) target_semaphore(%run_scoped3A : memref<!tpu.dma_semaphore, #tpu.memory_space<semaphore_mem>>)
      %dma_wait3A_64 = arith.constant 0 : i32
      %dma_wait3A_65 = tpu.memref_slice %arg6[%add3A_59, %dma_wait3A_64] : memref<20480x128xf32, #tpu.memory_space<hbm>> -> memref<640x128xf32, #tpu.memory_space<hbm>>
      %dma_wait3A_66 = arith.constant 0 : i32
      %dma_wait3A_67 = tpu.memref_slice %arg15[%mul3A_54, %dma_wait3A_66] : memref<10240x128xf32, #tpu.memory_space<vmem_shared>> -> memref<640x128xf32, #tpu.memory_space<vmem_shared>>
      tpu.wait_dma2 semaphore(%run_scoped3A : memref<!tpu.dma_semaphore, #tpu.memory_space<semaphore_mem>>) src(%dma_wait3A_67 : memref<640x128xf32, #tpu.memory_space<vmem_shared>>) dst(%dma_wait3A_65 : memref<640x128xf32, #tpu.memory_space<hbm>>)
      tpu.yield
    }) : () -> ()
    return
  }
}

module attributes {stable_mosaic.version = 14 : i64} {
  func.func @_tc_rcnt_body(%arg0: memref<32x80x128xf32, #tpu.memory_space<vmem>>, %arg1: memref<80x128xf32, #tpu.memory_space<vmem>>) attributes {dimension_semantics = [], scalar_prefetch = 0 : i64, scratch_operands = 0 : i64, tpu.core_type = #tpu.core_type<tc>} {
    %get3A = arith.constant 0 : index
    %get3A_0 = arith.constant 0 : index
    %get3A_1 = arith.constant 0 : index
    %get3A_2 = vector.load %arg0[%get3A, %get3A_0, %get3A_1] : memref<32x80x128xf32, #tpu.memory_space<vmem>>, vector<32x80x128xf32>
    %reduce_sum3A = arith.constant dense<0.000000e+00> : vector<80x128xf32>
    %reduce_sum3A_3 = vector.multi_reduction <add>, %get3A_2, %reduce_sum3A [0] : vector<32x80x128xf32> to vector<80x128xf32>
    %max3A = arith.constant 1.000000e+00 : f32
    %max3A_4 = vector.broadcast %max3A : f32 to vector<80x128xf32>
    %max3A_5 = arith.maximumf %reduce_sum3A_3, %max3A_4 : vector<80x128xf32>
    %integer_pow3A = arith.constant 1.000000e+00 : f32
    %integer_pow3A_6 = vector.broadcast %integer_pow3A : f32 to vector<80x128xf32>
    %integer_pow3A_7 = arith.divf %integer_pow3A_6, %max3A_5 : vector<80x128xf32>
    %swap3A = arith.constant 0 : index
    %swap3A_8 = arith.constant 0 : index
    %swap3A_9 = vector.load %arg1[%swap3A, %swap3A_8] : memref<80x128xf32, #tpu.memory_space<vmem>>, vector<80x128xf32>
    tpu.vector_store %arg1[%swap3A, %swap3A_8], %integer_pow3A_7 {strides = array<i32>} : memref<80x128xf32, #tpu.memory_space<vmem>>, vector<80x128xf32>,
    return
  }
}

module attributes {stable_mosaic.version = 14 : i64} {
  func.func @_tc_layer1_body(%arg0: i32, %arg1: memref<1x2048x128xf32, #tpu.memory_space<vmem>>, %arg2: memref<1x2048x128xf32, #tpu.memory_space<vmem>>, %arg3: memref<2048x1xf32, #tpu.memory_space<vmem>>, %arg4: memref<2048x128xf32, #tpu.memory_space<vmem>>, %arg5: memref<128x128xf32, #tpu.memory_space<vmem>>, %arg6: memref<1x128xf32, #tpu.memory_space<vmem>>, %arg7: memref<128x128xf32, #tpu.memory_space<vmem>>, %arg8: memref<2048x128xf32, #tpu.memory_space<vmem>>) attributes {dimension_semantics = [#tpu.dimension_semantics<arbitrary>], iteration_bounds = array<i64: 5>, scalar_prefetch = 0 : i64, scratch_operands = 0 : i64, tpu.core_type = #tpu.core_type<tc>, window_params = [{transform_indices = @transform_0, window_bounds = array<i64: 1, 2048, 128>}, {transform_indices = @transform_1, window_bounds = array<i64: 1, 2048, 128>}, {transform_indices = @transform_2, window_bounds = array<i64: 2048, 1>}, {transform_indices = @transform_3, window_bounds = array<i64: 2048, 128>}, {pipeline_mode = #tpu.pipeline_mode<synchronous>, transform_indices = @transform_4, window_bounds = array<i64: 128, 128>}, {pipeline_mode = #tpu.pipeline_mode<synchronous>, transform_indices = @transform_5, window_bounds = array<i64: 1, 128>}, {pipeline_mode = #tpu.pipeline_mode<synchronous>, transform_indices = @transform_6, window_bounds = array<i64: 128, 128>}, {transform_indices = @transform_7, window_bounds = array<i64: 2048, 128>}]} {
    %get3A = arith.constant 0 : index
    %get3A_0 = arith.constant 0 : index
    %get3A_1 = arith.constant 0 : index
    %get3A_2 = vector.load %arg1[%get3A, %get3A_0, %get3A_1] : memref<1x2048x128xf32, #tpu.memory_space<vmem>>, vector<1x2048x128xf32>
    %get3A_3 = vector.shape_cast %get3A_2 : vector<1x2048x128xf32> to vector<2048x128xf32>
    %get3A_4 = arith.constant 0 : index
    %get3A_5 = arith.constant 0 : index
    %get3A_6 = arith.constant 0 : index
    %get3A_7 = vector.load %arg2[%get3A_4, %get3A_5, %get3A_6] : memref<1x2048x128xf32, #tpu.memory_space<vmem>>, vector<1x2048x128xf32>
    %get3A_8 = vector.shape_cast %get3A_7 : vector<1x2048x128xf32> to vector<2048x128xf32>
    %add3A = arith.addf %get3A_3, %get3A_8 : vector<2048x128xf32>
    %get3A_9 = arith.constant 0 : index
    %get3A_10 = arith.constant 0 : index
    %get3A_11 = vector.load %arg3[%get3A_9, %get3A_10] : memref<2048x1xf32, #tpu.memory_space<vmem>>, vector<2048x1xf32>
    %mul3A = vector.broadcast %get3A_11 : vector<2048x1xf32> to vector<2048x128xf32>
    %mul3A_12 = arith.mulf %add3A, %mul3A : vector<2048x128xf32>
    %get3A_13 = arith.constant 0 : index
    %get3A_14 = arith.constant 0 : index
    %get3A_15 = vector.load %arg4[%get3A_13, %get3A_14] : memref<2048x128xf32, #tpu.memory_space<vmem>>, vector<2048x128xf32>
    %get3A_16 = arith.constant 0 : index
    %get3A_17 = arith.constant 0 : index
    %get3A_18 = vector.load %arg5[%get3A_16, %get3A_17] : memref<128x128xf32, #tpu.memory_space<vmem>>, vector<128x128xf32>
    %dot_general3A = arith.constant dense<0.000000e+00> : vector<2048x128xf32>
    %dot_general3A_19 = tpu.matmul %mul3A_12, %get3A_18, %dot_general3A {dimension_numbers = #tpu.dot_dimension_numbers<[1], [0], [0], [1], [0, 0, 1, 1], [], []>, transpose_lhs_hint = false} : vector<2048x128xf32>, vector<128x128xf32>, vector<2048x128xf32> -> vector<2048x128xf32>
    %get3A_20 = arith.constant 0 : index
    %get3A_21 = arith.constant 0 : index
    %get3A_22 = vector.load %arg6[%get3A_20, %get3A_21] : memref<1x128xf32, #tpu.memory_space<vmem>>, vector<1x128xf32>
    %add3A_23 = vector.broadcast %get3A_22 : vector<1x128xf32> to vector<2048x128xf32>
    %add3A_24 = arith.addf %dot_general3A_19, %add3A_23 : vector<2048x128xf32>
    %get3A_25 = arith.constant 0 : index
    %get3A_26 = arith.constant 0 : index
    %get3A_27 = vector.load %arg7[%get3A_25, %get3A_26] : memref<128x128xf32, #tpu.memory_space<vmem>>, vector<128x128xf32>
    %dot_general3A_28 = arith.constant dense<0.000000e+00> : vector<2048x128xf32>
    %dot_general3A_29 = tpu.matmul %get3A_15, %get3A_27, %dot_general3A_28 {dimension_numbers = #tpu.dot_dimension_numbers<[1], [0], [0], [1], [0, 0, 1, 1], [], []>, transpose_lhs_hint = false} : vector<2048x128xf32>, vector<128x128xf32>, vector<2048x128xf32> -> vector<2048x128xf32>
    %add3A_30 = arith.addf %add3A_24, %dot_general3A_29 : vector<2048x128xf32>
    %mul3A_31 = arith.mulf %add3A_30, %add3A_30 : vector<2048x128xf32>
    %reduce_sum3A = arith.constant dense<0.000000e+00> : vector<2048xf32>
    %reduce_sum3A_32 = vector.multi_reduction <add>, %mul3A_31, %reduce_sum3A [1] : vector<2048x128xf32> to vector<2048xf32>
    %broadcast_in_dim3A = vector.shape_cast %reduce_sum3A_32 : vector<2048xf32> to vector<2048x1xf32>
    %max3A = arith.constant 1.000000e-24 : f32
    %max3A_33 = vector.broadcast %max3A : f32 to vector<2048x1xf32>
    %max3A_34 = arith.maximumf %broadcast_in_dim3A, %max3A_33 : vector<2048x1xf32>
    %rsqrt3A = math.rsqrt %max3A_34 : vector<2048x1xf32>
    %mul3A_35 = vector.broadcast %rsqrt3A : vector<2048x1xf32> to vector<2048x128xf32>
    %mul3A_36 = arith.mulf %add3A_30, %mul3A_35 : vector<2048x128xf32>
    %max3A_37 = arith.constant 0.000000e+00 : f32
    %max3A_38 = vector.broadcast %max3A_37 : f32 to vector<2048x128xf32>
    %max3A_39 = arith.maximumf %mul3A_36, %max3A_38 : vector<2048x128xf32>
    %swap3A = arith.constant 0 : index
    %swap3A_40 = arith.constant 0 : index
    %swap3A_41 = vector.load %arg8[%swap3A, %swap3A_40] : memref<2048x128xf32, #tpu.memory_space<vmem>>, vector<2048x128xf32>
    tpu.vector_store %arg8[%swap3A, %swap3A_40], %max3A_39 {strides = array<i32>} : memref<2048x128xf32, #tpu.memory_space<vmem>>, vector<2048x128xf32>,
    return
  }
  func.func @transform_0(%arg0: i32) -> (i32, i32, i32) {
    %c0_i32 = arith.constant 0 : i32
    %c0_i32_0 = arith.constant 0 : i32
    %c0_i32_1 = arith.constant 0 : i32
    return %c0_i32, %arg0, %c0_i32_0 : i32, i32, i32
  }
  func.func @transform_1(%arg0: i32) -> (i32, i32, i32) {
    %c1_i32 = arith.constant 1 : i32
    %c0_i32 = arith.constant 0 : i32
    %c0_i32_0 = arith.constant 0 : i32
    return %c1_i32, %arg0, %c0_i32 : i32, i32, i32
  }
  func.func @transform_2(%arg0: i32) -> (i32, i32) {
    %c0_i32 = arith.constant 0 : i32
    %c0_i32_0 = arith.constant 0 : i32
    return %arg0, %c0_i32 : i32, i32
  }
  func.func @transform_3(%arg0: i32) -> (i32, i32) {
    %c0_i32 = arith.constant 0 : i32
    %c0_i32_0 = arith.constant 0 : i32
    return %arg0, %c0_i32 : i32, i32
  }
  func.func @transform_4(%arg0: i32) -> (i32, i32) {
    %c0_i32 = arith.constant 0 : i32
    %c0_i32_0 = arith.constant 0 : i32
    %c0_i32_1 = arith.constant 0 : i32
    return %c0_i32, %c0_i32_0 : i32, i32
  }
  func.func @transform_5(%arg0: i32) -> (i32, i32) {
    %c0_i32 = arith.constant 0 : i32
    %c0_i32_0 = arith.constant 0 : i32
    %c0_i32_1 = arith.constant 0 : i32
    return %c0_i32, %c0_i32_0 : i32, i32
  }
  func.func @transform_6(%arg0: i32) -> (i32, i32) {
    %c0_i32 = arith.constant 0 : i32
    %c0_i32_0 = arith.constant 0 : i32
    %c0_i32_1 = arith.constant 0 : i32
    return %c0_i32, %c0_i32_0 : i32, i32
  }
  func.func @transform_7(%arg0: i32) -> (i32, i32) {
    %c0_i32 = arith.constant 0 : i32
    %c0_i32_0 = arith.constant 0 : i32
    return %arg0, %c0_i32 : i32, i32
  }
}

module attributes {stable_mosaic.version = 14 : i64} {
  func.func @_tc_layer2_body(%arg0: i32, %arg1: memref<1x2048x128xf32, #tpu.memory_space<vmem>>, %arg2: memref<1x2048x128xf32, #tpu.memory_space<vmem>>, %arg3: memref<2048x1xf32, #tpu.memory_space<vmem>>, %arg4: memref<2048x128xf32, #tpu.memory_space<vmem>>, %arg5: memref<128x128xf32, #tpu.memory_space<vmem>>, %arg6: memref<1x128xf32, #tpu.memory_space<vmem>>, %arg7: memref<128x128xf32, #tpu.memory_space<vmem>>, %arg8: memref<128x2xf32, #tpu.memory_space<vmem>>, %arg9: memref<1x2xf32, #tpu.memory_space<vmem>>, %arg10: memref<2048x2xf32, #tpu.memory_space<vmem>>) attributes {dimension_semantics = [#tpu.dimension_semantics<arbitrary>], iteration_bounds = array<i64: 5>, scalar_prefetch = 0 : i64, scratch_operands = 0 : i64, tpu.core_type = #tpu.core_type<tc>, window_params = [{transform_indices = @transform_0, window_bounds = array<i64: 1, 2048, 128>}, {transform_indices = @transform_1, window_bounds = array<i64: 1, 2048, 128>}, {transform_indices = @transform_2, window_bounds = array<i64: 2048, 1>}, {transform_indices = @transform_3, window_bounds = array<i64: 2048, 128>}, {pipeline_mode = #tpu.pipeline_mode<synchronous>, transform_indices = @transform_4, window_bounds = array<i64: 128, 128>}, {pipeline_mode = #tpu.pipeline_mode<synchronous>, transform_indices = @transform_5, window_bounds = array<i64: 1, 128>}, {pipeline_mode = #tpu.pipeline_mode<synchronous>, transform_indices = @transform_6, window_bounds = array<i64: 128, 128>}, {pipeline_mode = #tpu.pipeline_mode<synchronous>, transform_indices = @transform_7, window_bounds = array<i64: 128, 2>}, {pipeline_mode = #tpu.pipeline_mode<synchronous>, transform_indices = @transform_8, window_bounds = array<i64: 1, 2>}, {transform_indices = @transform_9, window_bounds = array<i64: 2048, 2>}]} {
    %get3A = arith.constant 0 : index
    %get3A_0 = arith.constant 0 : index
    %get3A_1 = arith.constant 0 : index
    %get3A_2 = vector.load %arg1[%get3A, %get3A_0, %get3A_1] : memref<1x2048x128xf32, #tpu.memory_space<vmem>>, vector<1x2048x128xf32>
    %get3A_3 = vector.shape_cast %get3A_2 : vector<1x2048x128xf32> to vector<2048x128xf32>
    %get3A_4 = arith.constant 0 : index
    %get3A_5 = arith.constant 0 : index
    %get3A_6 = arith.constant 0 : index
    %get3A_7 = vector.load %arg2[%get3A_4, %get3A_5, %get3A_6] : memref<1x2048x128xf32, #tpu.memory_space<vmem>>, vector<1x2048x128xf32>
    %get3A_8 = vector.shape_cast %get3A_7 : vector<1x2048x128xf32> to vector<2048x128xf32>
    %add3A = arith.addf %get3A_3, %get3A_8 : vector<2048x128xf32>
    %get3A_9 = arith.constant 0 : index
    %get3A_10 = arith.constant 0 : index
    %get3A_11 = vector.load %arg3[%get3A_9, %get3A_10] : memref<2048x1xf32, #tpu.memory_space<vmem>>, vector<2048x1xf32>
    %mul3A = vector.broadcast %get3A_11 : vector<2048x1xf32> to vector<2048x128xf32>
    %mul3A_12 = arith.mulf %add3A, %mul3A : vector<2048x128xf32>
    %get3A_13 = arith.constant 0 : index
    %get3A_14 = arith.constant 0 : index
    %get3A_15 = vector.load %arg4[%get3A_13, %get3A_14] : memref<2048x128xf32, #tpu.memory_space<vmem>>, vector<2048x128xf32>
    %get3A_16 = arith.constant 0 : index
    %get3A_17 = arith.constant 0 : index
    %get3A_18 = vector.load %arg5[%get3A_16, %get3A_17] : memref<128x128xf32, #tpu.memory_space<vmem>>, vector<128x128xf32>
    %dot_general3A = arith.constant dense<0.000000e+00> : vector<2048x128xf32>
    %dot_general3A_19 = tpu.matmul %mul3A_12, %get3A_18, %dot_general3A {dimension_numbers = #tpu.dot_dimension_numbers<[1], [0], [0], [1], [0, 0, 1, 1], [], []>, transpose_lhs_hint = false} : vector<2048x128xf32>, vector<128x128xf32>, vector<2048x128xf32> -> vector<2048x128xf32>
    %get3A_20 = arith.constant 0 : index
    %get3A_21 = arith.constant 0 : index
    %get3A_22 = vector.load %arg6[%get3A_20, %get3A_21] : memref<1x128xf32, #tpu.memory_space<vmem>>, vector<1x128xf32>
    %add3A_23 = vector.broadcast %get3A_22 : vector<1x128xf32> to vector<2048x128xf32>
    %add3A_24 = arith.addf %dot_general3A_19, %add3A_23 : vector<2048x128xf32>
    %get3A_25 = arith.constant 0 : index
    %get3A_26 = arith.constant 0 : index
    %get3A_27 = vector.load %arg7[%get3A_25, %get3A_26] : memref<128x128xf32, #tpu.memory_space<vmem>>, vector<128x128xf32>
    %dot_general3A_28 = arith.constant dense<0.000000e+00> : vector<2048x128xf32>
    %dot_general3A_29 = tpu.matmul %get3A_15, %get3A_27, %dot_general3A_28 {dimension_numbers = #tpu.dot_dimension_numbers<[1], [0], [0], [1], [0, 0, 1, 1], [], []>, transpose_lhs_hint = false} : vector<2048x128xf32>, vector<128x128xf32>, vector<2048x128xf32> -> vector<2048x128xf32>
    %add3A_30 = arith.addf %add3A_24, %dot_general3A_29 : vector<2048x128xf32>
    %mul3A_31 = arith.mulf %add3A_30, %add3A_30 : vector<2048x128xf32>
    %reduce_sum3A = arith.constant dense<0.000000e+00> : vector<2048xf32>
    %reduce_sum3A_32 = vector.multi_reduction <add>, %mul3A_31, %reduce_sum3A [1] : vector<2048x128xf32> to vector<2048xf32>
    %broadcast_in_dim3A = vector.shape_cast %reduce_sum3A_32 : vector<2048xf32> to vector<2048x1xf32>
    %max3A = arith.constant 1.000000e-24 : f32
    %max3A_33 = vector.broadcast %max3A : f32 to vector<2048x1xf32>
    %max3A_34 = arith.maximumf %broadcast_in_dim3A, %max3A_33 : vector<2048x1xf32>
    %rsqrt3A = math.rsqrt %max3A_34 : vector<2048x1xf32>
    %mul3A_35 = vector.broadcast %rsqrt3A : vector<2048x1xf32> to vector<2048x128xf32>
    %mul3A_36 = arith.mulf %add3A_30, %mul3A_35 : vector<2048x128xf32>
    %add3A_37 = arith.addf %mul3A_36, %get3A_15 : vector<2048x128xf32>
    %max3A_38 = arith.constant 0.000000e+00 : f32
    %max3A_39 = vector.broadcast %max3A_38 : f32 to vector<2048x128xf32>
    %max3A_40 = arith.maximumf %add3A_37, %max3A_39 : vector<2048x128xf32>
    %get3A_41 = arith.constant 0 : index
    %get3A_42 = arith.constant 0 : index
    %get3A_43 = vector.load %arg8[%get3A_41, %get3A_42] : memref<128x2xf32, #tpu.memory_space<vmem>>, vector<128x2xf32>
    %dot_general3A_44 = arith.constant dense<0.000000e+00> : vector<2048x2xf32>
    %dot_general3A_45 = tpu.matmul %max3A_40, %get3A_43, %dot_general3A_44 {dimension_numbers = #tpu.dot_dimension_numbers<[1], [0], [0], [1], [0, 0, 1, 1], [], []>, transpose_lhs_hint = false} : vector<2048x128xf32>, vector<128x2xf32>, vector<2048x2xf32> -> vector<2048x2xf32>
    %get3A_46 = arith.constant 0 : index
    %get3A_47 = arith.constant 0 : index
    %get3A_48 = vector.load %arg9[%get3A_46, %get3A_47] : memref<1x2xf32, #tpu.memory_space<vmem>>, vector<1x2xf32>
    %add3A_49 = vector.broadcast %get3A_48 : vector<1x2xf32> to vector<2048x2xf32>
    %add3A_50 = arith.addf %dot_general3A_45, %add3A_49 : vector<2048x2xf32>
    %swap3A = arith.constant 0 : index
    %swap3A_51 = arith.constant 0 : index
    %swap3A_52 = vector.load %arg10[%swap3A, %swap3A_51] : memref<2048x2xf32, #tpu.memory_space<vmem>>, vector<2048x2xf32>
    tpu.vector_store %arg10[%swap3A, %swap3A_51], %add3A_50 {strides = array<i32>} : memref<2048x2xf32, #tpu.memory_space<vmem>>, vector<2048x2xf32>,
    return
  }
  func.func @transform_0(%arg0: i32) -> (i32, i32, i32) {
    %c0_i32 = arith.constant 0 : i32
    %c0_i32_0 = arith.constant 0 : i32
    %c0_i32_1 = arith.constant 0 : i32
    return %c0_i32, %arg0, %c0_i32_0 : i32, i32, i32
  }
  func.func @transform_1(%arg0: i32) -> (i32, i32, i32) {
    %c1_i32 = arith.constant 1 : i32
    %c0_i32 = arith.constant 0 : i32
    %c0_i32_0 = arith.constant 0 : i32
    return %c1_i32, %arg0, %c0_i32 : i32, i32, i32
  }
  func.func @transform_2(%arg0: i32) -> (i32, i32) {
    %c0_i32 = arith.constant 0 : i32
    %c0_i32_0 = arith.constant 0 : i32
    return %arg0, %c0_i32 : i32, i32
  }
  func.func @transform_3(%arg0: i32) -> (i32, i32) {
    %c0_i32 = arith.constant 0 : i32
    %c0_i32_0 = arith.constant 0 : i32
    return %arg0, %c0_i32 : i32, i32
  }
  func.func @transform_4(%arg0: i32) -> (i32, i32) {
    %c0_i32 = arith.constant 0 : i32
    %c0_i32_0 = arith.constant 0 : i32
    %c0_i32_1 = arith.constant 0 : i32
    return %c0_i32, %c0_i32_0 : i32, i32
  }
  func.func @transform_5(%arg0: i32) -> (i32, i32) {
    %c0_i32 = arith.constant 0 : i32
    %c0_i32_0 = arith.constant 0 : i32
    %c0_i32_1 = arith.constant 0 : i32
    return %c0_i32, %c0_i32_0 : i32, i32
  }
  func.func @transform_6(%arg0: i32) -> (i32, i32) {
    %c0_i32 = arith.constant 0 : i32
    %c0_i32_0 = arith.constant 0 : i32
    %c0_i32_1 = arith.constant 0 : i32
    return %c0_i32, %c0_i32_0 : i32, i32
  }
  func.func @transform_7(%arg0: i32) -> (i32, i32) {
    %c0_i32 = arith.constant 0 : i32
    %c0_i32_0 = arith.constant 0 : i32
    %c0_i32_1 = arith.constant 0 : i32
    return %c0_i32, %c0_i32_0 : i32, i32
  }
  func.func @transform_8(%arg0: i32) -> (i32, i32) {
    %c0_i32 = arith.constant 0 : i32
    %c0_i32_0 = arith.constant 0 : i32
    %c0_i32_1 = arith.constant 0 : i32
    return %c0_i32, %c0_i32_0 : i32, i32
  }
  func.func @transform_9(%arg0: i32) -> (i32, i32) {
    %c0_i32 = arith.constant 0 : i32
    %c0_i32_0 = arith.constant 0 : i32
    return %arg0, %c0_i32 : i32, i32
  }
}

</mosaic_0001>

<sc_bundles>
// kernel: kernel.11.cloned.1.call-start
scs
__scs_entry_jumppad:
0x0: {  	(pc) =	sbr.rel $0x88, $3  }
0x1: {  	(tag) =	ssettag $0x0;
	lr =	simm.s32 $0x1  }
0x2: {  	[smem:$0x3F97] =	sst lr;
	_ =	strace $0xD0000000  }
0x3: {  	_ = 	snop  }
0x4: {  	_ = 	snop  }
0x5: {  	_ = 	snop  }
0x6: {  	_ = 	snop  }
0x7: {  	_ = 	snop  }
__scs_overlays_trampoline_lowered:
0x8: {  	[smem:$0x3FA6] =	sst s0  }
0x9: {  	[smem:$0x3FA7] =	sst s1  }
0xa: {  	[smem:$0x3FA8] =	sst s2  }
0xb: {  	[smem:$0x3FA9] =	sst s3  }
0xc: {  	[smem:$0x3FAA] =	sst s4  }
0xd: {  	[smem:$0x3FAB] =	sst s5  }
0xe: {  	[smem:$0x3FAC] =	sst s6  }
0xf: {  	[smem:$0x3FAD] =	sst s7  }
0x10: {  	[smem:$0x3FAE] =	sst s8  }
0x11: {  	[smem:$0x3FAF] =	sst s9;
	s0 =	simm.s32 @!p0 $0x0  }
0x12: {  	s1 =	sld [smem:$0x3F95];
	s0 =	simm.s32 @p0 $0x1  }
0x13: {  	[smem:$0x3FB0] =	sst s0;
	s0 =	simm.s32 @!p1 $0x0  }
0x14: {  	s2 =	sld [smem:$0x3F94];
	s0 =	simm.s32 @p1 $0x1  }
0x15: {  	[smem:$0x3FB1] =	sst s0;
	s0 =	simm.s32 @!p2 $0x0  }
0x16: {  	s3 =	sld [smem:$0x3FDB];
	s0 =	simm.s32 @p2 $0x1  }
0x17: {  	s4 =	simm.s32 $0x1BF5;
	[smem:$0x3FB3] =	sst s0  }
0x18: {  	s0 =	sld [smem:$0x3F96];
	_ =	swait.ge [sflag:s4], $0x0  }
0x19: {  	s7 =	sld [smem:$0x3F97]  }
0x1a: {  	s8 =	sadd.s32 $0xFFFFE003, lr  }
0x1b: {  	s9 =	sadd.s32 $0xFFFFFEF7, lr;
	s5 =	simm.s32 $0xFFFFFFFF;
	p2 =	slt.u32 s8, $0xFFFFF086  }
0x1c: {  	p1 =	slt.u32 s9, $0xF7A;
	s5 =	simm.s32 @!p2 $0x0  }
0x1d: {  	s5 =	simm.s32 @p1 $0x1;
	p0 =	seq.s32 s7, s2  }
0x1e: {  	s7 =	smul.u32 @!p0 $0xF7A, s2;
	p2 =	seq.s32 @!p0 s5, $0x0  }
0x1f: {  	s9 =	smul.u32 $0xF7A, s1;
	s8 =	simm.s32 @!p0 $0x1BF5;
	p2 =	por !p2, p0  }
0x20: {  	[sflag:s8] =	ssyncset.s32 @!p0 $0xFFFFF086;
	s6 =	sadd.s32 @!p0 s3, s7;
	s7 =	simm.s32 @!p0 $0x108  }
0x21: {  	s3 =	sadd.s32 s3, s9;
	s6 =	sadd.s32 @!p0 $0x88, s6;
	s7 =	simm.s32 @p2 $0x1082  }
0x22: {  	[simem:s7], [sflag:s8] =	dma.local @!p0 [hbm:s6], $0xF7A  }
0x23: {  	s9 =	sor.u32 $0xD0000000, s2;
	s6 =	simm.s32 $0x108;
	_ =	swait.ge @!p0 [sflag:s8], $0x0  }
0x24: {  	s3 =	sadd.s32 $0x88, s3;
	s6 =	simm.s32 @!p1 $0x1082;
	[sflag:s4] =	ssyncset.s32 $0xFFFFF086  }
0x25: {  	[simem:s6], [sflag:s4] =	dma.local [hbm:s3], $0xF7A  }
0x26: {  	[smem:$0x3F97] =	sst s1;
	(tag) =	ssettag s2;
	_ =	strace s9  }
0x27: {  	s1 =	sld [smem:$0x3FA7]  }
0x28: {  	s2 =	sld [smem:$0x3FA8]  }
0x29: {  	s4 =	sld [smem:$0x3FAA]  }
0x2a: {  	p0 =	seq.s32 s5, $0x0;
	s5 =	sld [smem:$0x3FAB]  }
0x2b: {  	s6 =	sld [smem:$0x3FAC]  }
0x2c: {  	s7 =	sld [smem:$0x3FAD]  }
0x2d: {  	s3 =	simm.s32 $0x108;
	s8 =	sld [smem:$0x3FAE]  }
0x2e: {  	s3 =	simm.s32 @!p0 $0x1082;
	s9 =	sld [smem:$0x3FAF]  }
0x2f: {  	lr =	sadd.s32 s0, s3;
	s0 =	sld [smem:$0x3FA6]  }
0x30: {  	s3 =	sld [smem:$0x3FA9]  }
0x31: {  	[smem:$0x3FB2] =	sst s10  }
0x32: {  	s10 =	sld [smem:$0x3FB0];
	_ =	sdelay $0x3  }
0x33: {  	p0 =	seq.s32 s10, $0x1;
	s10 =	sld [smem:$0x3FB2];
	_ =	sdelay $0x3  }
0x34: {  	[smem:$0x3FB2] =	sst s10  }
0x35: {  	s10 =	sld [smem:$0x3FB1];
	_ =	sdelay $0x3  }
0x36: {  	p1 =	seq.s32 s10, $0x1;
	s10 =	sld [smem:$0x3FB2];
	_ =	sdelay $0x3  }
0x37: {  	[smem:$0x3FB2] =	sst s10  }
0x38: {  	s10 =	sld [smem:$0x3FB3]  }
0x39: {  	_ = 	snop;
	(pc) =	sbr.ind lr, $3  }
0x3a: {  	_ = 	snop  }
0x3b: {  	_ = 	snop  }
0x3c: {  	p2 =	seq.s32 s10, $0x1;
	s10 =	sld [smem:$0x3FB2]  }
0x3d: {  	_ =	shalt  }
0x3e: {  	_ =	shalt  }
0x3f: {  	_ =	shalt  }
0x40: {  	_ =	shalt  }
0x41: {  	_ =	shalt  }
0x42: {  	_ =	shalt  }
0x43: {  	_ =	shalt  }
0x44: {  	_ =	shalt  }
0x45: {  	_ =	shalt  }
0x46: {  	_ =	shalt  }
0x47: {  	_ =	shalt  }
0x48: {  	_ =	shalt  }
0x49: {  	_ =	shalt  }
0x4a: {  	_ =	shalt  }
0x4b: {  	_ =	shalt  }
0x4c: {  	_ =	shalt  }
0x4d: {  	_ =	shalt  }
0x4e: {  	_ =	shalt  }
0x4f: {  	_ =	shalt  }
0x50: {  	_ =	shalt  }
0x51: {  	_ =	shalt  }
0x52: {  	_ =	shalt  }
0x53: {  	_ =	shalt  }
0x54: {  	_ =	shalt  }
0x55: {  	_ =	shalt  }
0x56: {  	_ =	shalt  }
0x57: {  	_ =	shalt  }
0x58: {  	_ =	shalt  }
0x59: {  	_ =	shalt  }
0x5a: {  	_ =	shalt  }
0x5b: {  	_ =	shalt  }
0x5c: {  	_ =	shalt  }
0x5d: {  	_ =	shalt  }
0x5e: {  	_ =	shalt  }
0x5f: {  	_ =	shalt  }
0x60: {  	_ =	shalt  }
0x61: {  	_ =	shalt  }
0x62: {  	_ =	shalt  }
0x63: {  	_ =	shalt  }
0x64: {  	_ =	shalt  }
0x65: {  	_ =	shalt  }
0x66: {  	_ =	shalt  }
0x67: {  	_ =	shalt  }
0x68: {  	_ =	shalt  }
0x69: {  	_ =	shalt  }
0x6a: {  	_ =	shalt  }
0x6b: {  	_ =	shalt  }
0x6c: {  	_ =	shalt  }
0x6d: {  	_ =	shalt  }
0x6e: {  	_ =	shalt  }
0x6f: {  	_ =	shalt  }
0x70: {  	_ =	shalt  }
0x71: {  	_ =	shalt  }
0x72: {  	_ =	shalt  }
0x73: {  	_ =	shalt  }
0x74: {  	_ =	shalt  }
0x75: {  	_ =	shalt  }
0x76: {  	_ =	shalt  }
0x77: {  	_ =	shalt  }
0x78: {  	_ =	shalt  }
0x79: {  	_ =	shalt  }
0x7a: {  	_ =	shalt  }
0x7b: {  	_ =	shalt  }
0x7c: {  	_ =	shalt  }
0x7d: {  	_ =	shalt  }
0x7e: {  	_ =	shalt  }
0x7f: {  	_ =	shalt  }
0x80: {  	_ =	shalt  }
0x81: {  	_ =	shalt  }
0x82: {  	_ =	shalt  }
0x83: {  	_ =	shalt  }
0x84: {  	_ =	shalt  }
0x85: {  	_ =	shalt  }
0x86: {  	_ =	shalt  }
0x87: {  	_ =	shalt  }
.Lfunc_end0:
.L_simem_size_0:
called_computation.1_lowered:
.L_overlay_start_0:
0x88: {  	s2 =	sld [smem:$0x3FD9]  }
0x89: {  	s3 =	sld [smem:$0x3FFE];
	_ =	sdelay $0x1  }
0x8a: {  	s1 =	srdreg.scid  }
0x8b: {  	s0 =	sand.u32 $0x1, s1  }
0x8c: {  	s17 =	sshll.u32 s0, $0xA;
	s2 =	sadd.s32 s3, s2  }
0x8d: {  	s2 =	sadd.s32 s2, s17  }
0x8e: {  	[smem:$0x3FBE] =	sst s2  }
0x8f: {  	_ = 	snop  }
0x90: {  	s2 =	sld [smem:$0x3FD0];
	(tm) =	ssettm $0x1  }
0x91: {  	s18 =	sld [smem:$0x3FFB];
	_ =	sdelay $0x3  }
0x92: {  	_ =	strace s18  }
0x93: {  	s3 =	sld [smem:$0x3FFC];
	_ =	sdelay $0x3  }
0x94: {  	_ =	strace s3  }
0x95: {  	s3 =	sld [smem:$0x3FFD];
	_ =	sdelay $0x3  }
0x96: {  	_ =	strace s3  }
0x97: {  	_ =	strace $0x8FFFFFFF  }
0x98: {  	s19 =	sld [smem:$0x3FDB];
	_ =	sdelay $0x1  }
0x99: {  	s4 =	simm.s32 $_scs_section_size  }
0x9a: {  	s5 =	simm.s32 $_size__tile_overlayer_lowered;
	s6 =	simm.s32 $_tile_overlayer_lowered  }
0x9b: {  	s22 =	simm.s32 $0x1BFF;
	s21 =	sshll.u32 s6, $0x1;
	s3 =	sadd.s32 s4, s19  }
0x9c: {  	s7 =	simm.s32 $0x0;
	s20 =	sshll.u32 s5, $0x1;
	s5 =	sadd.s32 s21, s3  }
0x9d: {  	[timem:s7], [sflag:s22] =	dma.local [hbm:s5], s20  }
0x9e: {  	_ =	swait.ge [sflag:s22], s20  }
0x9f: {  	s4 =	ssub.s32 $0x0, s20;
	[sflag:s22] =	ssyncset.done $0x0  }
0xa0: {  	[sflag:s22] =	ssyncadd.s32 s4;
	_ =	sdelay $0x1  }
0xa1: {  	s23 =	simm.s32 $0x1B8B  }
0xa2: {  	_ =	swait.ge [sflag:s23], $0x1  }
0xa3: {  	[sflag:s23] =	ssyncset.done $0x0  }
0xa4: {  	s25 =	simm.s32 $0x1B8E;
	s24 =	sld [smem:$0x3FFE];
	[sflag:s23] =	ssyncadd.s32 $0xFFFFFFFF  }
0xa5: {  	s26 =	simm.s32 $execute0_lowered;
	[smem:$0x3FD2] =	sst s25  }
0xa6: {  	s5 =	sshll.u32 s26, $0x1;
	_ =	strace $0x80000046;
	[dreg:$0x1] =	wrdreg $0xFFFFFFFF  }
0xa7: {  	s28 =	simm.s32 $_size_execute0_lowered;
	s3 =	sadd.s32 s3, s5;
	[dreg:$0x0] =	wrdreg $0x0  }
0xa8: {  	s5 =	sshll.u32 s28, $0x1;
	[dreg:$0x2] =	wrdreg s3  }
0xa9: {  	[dreg:$0x3] =	wrdreg s5  }
0xaa: {  	[dreg:$0x4] =	wrdreg $0xC0  }
0xab: {  	_ =	task [dreg:s7], $0x5FFFF  }
0xac: {  	[dreg:$0x1] =	wrdreg $0xFFFFFFFF  }
0xad: {  	[dreg:$0x0] =	wrdreg $0x60  }
0xae: {  	[dreg:$0x2] =	wrdreg s24  }
0xaf: {  	[dreg:$0x3] =	wrdreg s2  }
0xb0: {  	[dreg:$0x4] =	wrdreg $0xA  }
0xb1: {  	_ =	task.clear_ibuf [dreg:s7], $0x5FFFF;
	_ =	strace $0x90000046  }
0xb2: {  	s29 =	simm.s32 $0xA;
	_ =	strace $0x80000048  }
0xb3: {  	_ =	swait.ge [sflag:s29], $0x1  }
0xb4: {  	[sflag:s29] =	ssyncadd.s32 $0xFFFFFFFF  }
0xb5: {  	_ =	strace $0x90000048  }
0xb6: {  	_ =	sfence  }
0xb7: {  	s30 =	sld [smem:$0x0];
	_ =	sdelay $0x2  }
0xb8: {  	s31 =	sshll.u32 s1, $0xD;
	s1 =	sshrl.u32 s1, $0x2  }
0xb9: {  	s3 =	sand.u32 $0x4000, s31;
	s1 =	sadd.s32 s1, s30  }
0xba: {  	s0 =	sor.u32 s3, s0;
	s1 =	sshll.u32 s1, $0x11  }
0xbb: {  	s0 =	sor.u32 s1, s0  }
0xbc: {  	s0 =	sadd.s32 $0x8F2B, s0  }
0xbd: {  	[sflag:s0] =	ssyncadd.remote.s32 $0x1  }
0xbe: {  	_ =	sfence.sel $0xFFFF  }
0xbf: {  	[dreg:$0x0] =	wrdreg $0xFFFFFFFF;
	(pc) =	sbr.abs _section_cstart, $3  }
0xc0: {  	[dreg:$0x1] =	wrdreg $0xFFFFFFFF  }
0xc1: {  	_ =	task.clear_ibuf [dreg:s7], $0x2FFFF;
	_ =	strace $0x9FFFFFFF  }
0xc2: {  	(tm) =	ssettm $0x7FFFFFFF  }
0xc3: {  	_ =	shalt  }
tec
execute0_lowered:
.L_overlay_start_1:
0x0: {  	(tag) =	ssettag $0x1  }
0x1: {  	s1 =	srdreg.scid;
	s0 =	stileid.u32  }
0x2: {  	s5 =	sand.u32 $0x1, s1;
	s31 =	sshll.u32 s0, $0x1  }
0x3: {  	s4 =	rddreg [dreg:$0x0];
	s6 =	sor.u32 s5, s31  }
0x4: {  	s2 =	rddreg [dreg:$0x1];
	s3 =	simm.s32 $0x0;
	s7 =	smul.u32 $0x4E2, s6  }
0x5: {  	s9 =	simm.s32 $0x0;
	[smem:$0x7FF] =	sst s3;
	s6 =	smul.u32 $0x500, s6  }
0x6: {  	s1 =	rddreg [dreg:$0x2];
	s5 =	ssub.s32 $0x2, s5;
	_ =	strace $0x80000047  }
0x7: {  	s8 =	sshrl.u32 s5, $0x1;
	s7 =	sadd.s32 s7, s4;
	s6 =	sadd.s32 s6, s4  }
0x8: {  	s8 =	ssub.s32 s5, s8;
	s4 =	sadd.s32 $0x2A00, s7;
	s5 =	sadd.s32 $0x16600, s6  }
0x9: {  	v0 =	vimm.f32 $1.000000000e+00;
	s6 =	smax.u32 s8, $0x1;
	s7 =	simm.s32 $0x1;
	s8 =	simm.s32 $0x2780  }
.LBB2_1:
0xa: {  	[tilespmem:s3], [sflag:$0x1] =	stream.linear.gather [hbm4b:s4+s3], $0x2710, $0x38;
	[tilespmem:$0x4F80] =	vst v63  }
0xb: {  	_ =	swait.ge [sflag:s7], $0x2710  }
0xc: {  	[sflag:s7] =	ssyncset.done $0x0  }
0xd: {  	[sflag:s7] =	ssyncadd.s32 $0xFFFFD8F0  }
0xe: {  	[tilespmem:s8], [sflag:$0x1] =	stream.linear.gather [hbm4b:s2+s3], $0x2800, $0x38;
	[tilespmem:$0x4F80] =	vst v63  }
0xf: {  	_ =	swait.ge [sflag:s7], $0x2800  }
0x10: {  	[sflag:s7] =	ssyncset.done $0x0  }
0x11: {  	s11 =	simm.s32 $0x0;
	s10 =	simm.s32 $0x40;
	[sflag:s7] =	ssyncadd.s32 $0xFFFFD800  }
.LBB2_2:
0x12: {  	p0 =	sne.s32 s10, $0x9C00;
	v1 =	vld [tilespmem:s11+$0x0];
	_ =	sdelay $0x3  }
.Ltmp0:
0x13: {  	(pc) =	sbr.rel @p0 .LBB2_2-.Ltmp0, $2  }
0x14: {  	_ =	sdelay $0x2  }
0x15: {  	s11 =	sshra.s32 s10, $0x2;
	s10 =	sadd.s32 $0x40, s10;
	[tilespmem:v1+s8+$0x0] =	vst.idx.add.f32.msk $0xffff, v0  }
0x16: {  	v1 =	vld [tilespmem:s11+$0x0];
	_ =	sdelay $0x5  }
0x17: {  	s9 =	sadd.s32 $0x1, s9  }
0x18: {  	p0 =	sne.s32 s9, s6  }
.Ltmp1:
0x19: {  	[tilespmem:v1+s8+$0x0] =	vst.idx.add.f32.msk $0xffff, v0;
	(pc) =	sbr.rel @p0 .LBB2_1-.Ltmp1, $4  }
0x1a: {  	[hbm4b:s5+s3] =	stream.linear.scatter [tilespmem:s8], [sflag:$0x1], $0x2800, $0x38;
	[tilespmem:$0x4F80] =	vst v63  }
0x1b: {  	_ =	swait.ge [sflag:s7], $0x2800  }
0x1c: {  	[sflag:s7] =	ssyncset.done $0x0  }
0x1d: {  	[sflag:s7] =	ssyncadd.s32 $0xFFFFD800  }
0x1e: {  	_ =	sfence.sel $0x180000  }
0x1f: {  	[bflag:$0x0] =	sbarrier.arrive $0xFFFF  }
0x20: {  	p0 =	sne.s32 s0, $0x0;
	_ =	strace $0x90000047  }
0x21: {  	s0 =	sadd.s32 @!p0 $0x100000, s1;
	[bflag:$0x2] =	sbarrier.arrive $0xFFFF  }
0x22: {  	[sflag:s0] =	ssyncadd.tile.s32 @!p0 $0x1;
	_ =	shalt  }
.Lfunc_end2:
_tile_overlayer_lowered:
.L_overlay_start_2:
0x23: {  	(tag) =	ssettag $0x2  }
0x24: {  	s0 =	rddreg [dreg:$0x0];
	s2 =	stileid.u32  }
0x25: {  	s1 =	rddreg [dreg:$0x1];
	p0 =	sne.s32 s2, $0x0  }
0x26: {  	s3 =	rddreg [dreg:$0x2];
	[bflag:$0x3] =	sbarrier.arrive $0xFFFF;
	s2 =	simm.s32 @!p0 $0x1C01  }
0x27: {  	[timem:s3], [sflag:s2] =	dma.local @!p0 [hbm:s0], s1  }
0x28: {  	s0 =	simm.s32 @!p0 $0x1  }
0x29: {  	_ =	swait.ge @!p0 [sflag:s0], s1  }
0x2a: {  	s1 =	ssub.s32 @!p0 $0x0, s1;
	[sflag:s0] =	ssyncset.done @!p0 $0x0  }
0x2b: {  	[sflag:s0] =	ssyncadd.s32 @!p0 s1  }
0x2c: {  	[bflag:$0x3] =	sbarrier.arrive $0xFFFF  }
0x2d: {  	_ =	shalt  }

// kernel: kernel.14.cloned.1.call-start
scs
__scs_entry_jumppad:
0x0: {  	(pc) =	sbr.rel $0x88, $3  }
0x1: {  	(tag) =	ssettag $0x0;
	lr =	simm.s32 $0x1  }
0x2: {  	[smem:$0x3F97] =	sst lr;
	_ =	strace $0xD0000000  }
0x3: {  	_ = 	snop  }
0x4: {  	_ = 	snop  }
0x5: {  	_ = 	snop  }
0x6: {  	_ = 	snop  }
0x7: {  	_ = 	snop  }
__scs_overlays_trampoline_lowered:
0x8: {  	[smem:$0x3FA6] =	sst s0  }
0x9: {  	[smem:$0x3FA7] =	sst s1  }
0xa: {  	[smem:$0x3FA8] =	sst s2  }
0xb: {  	[smem:$0x3FA9] =	sst s3  }
0xc: {  	[smem:$0x3FAA] =	sst s4  }
0xd: {  	[smem:$0x3FAB] =	sst s5  }
0xe: {  	[smem:$0x3FAC] =	sst s6  }
0xf: {  	[smem:$0x3FAD] =	sst s7  }
0x10: {  	[smem:$0x3FAE] =	sst s8  }
0x11: {  	[smem:$0x3FAF] =	sst s9;
	s0 =	simm.s32 @!p0 $0x0  }
0x12: {  	s1 =	sld [smem:$0x3F95];
	s0 =	simm.s32 @p0 $0x1  }
0x13: {  	[smem:$0x3FB0] =	sst s0;
	s0 =	simm.s32 @!p1 $0x0  }
0x14: {  	s2 =	sld [smem:$0x3F94];
	s0 =	simm.s32 @p1 $0x1  }
0x15: {  	[smem:$0x3FB1] =	sst s0;
	s0 =	simm.s32 @!p2 $0x0  }
0x16: {  	s3 =	sld [smem:$0x3FDB];
	s0 =	simm.s32 @p2 $0x1  }
0x17: {  	s4 =	simm.s32 $0x1BF5;
	[smem:$0x3FB3] =	sst s0  }
0x18: {  	s0 =	sld [smem:$0x3F96];
	_ =	swait.ge [sflag:s4], $0x0  }
0x19: {  	s7 =	sld [smem:$0x3F97]  }
0x1a: {  	s8 =	sadd.s32 $0xFFFFE003, lr  }
0x1b: {  	s9 =	sadd.s32 $0xFFFFFEF7, lr;
	s5 =	simm.s32 $0xFFFFFFFF;
	p2 =	slt.u32 s8, $0xFFFFF086  }
0x1c: {  	p1 =	slt.u32 s9, $0xF7A;
	s5 =	simm.s32 @!p2 $0x0  }
0x1d: {  	s5 =	simm.s32 @p1 $0x1;
	p0 =	seq.s32 s7, s2  }
0x1e: {  	s7 =	smul.u32 @!p0 $0xF7A, s2;
	p2 =	seq.s32 @!p0 s5, $0x0  }
0x1f: {  	s9 =	smul.u32 $0xF7A, s1;
	s8 =	simm.s32 @!p0 $0x1BF5;
	p2 =	por !p2, p0  }
0x20: {  	[sflag:s8] =	ssyncset.s32 @!p0 $0xFFFFF086;
	s6 =	sadd.s32 @!p0 s3, s7;
	s7 =	simm.s32 @!p0 $0x108  }
0x21: {  	s3 =	sadd.s32 s3, s9;
	s6 =	sadd.s32 @!p0 $0x88, s6;
	s7 =	simm.s32 @p2 $0x1082  }
0x22: {  	[simem:s7], [sflag:s8] =	dma.local @!p0 [hbm:s6], $0xF7A  }
0x23: {  	s9 =	sor.u32 $0xD0000000, s2;
	s6 =	simm.s32 $0x108;
	_ =	swait.ge @!p0 [sflag:s8], $0x0  }
0x24: {  	s3 =	sadd.s32 $0x88, s3;
	s6 =	simm.s32 @!p1 $0x1082;
	[sflag:s4] =	ssyncset.s32 $0xFFFFF086  }
0x25: {  	[simem:s6], [sflag:s4] =	dma.local [hbm:s3], $0xF7A  }
0x26: {  	[smem:$0x3F97] =	sst s1;
	(tag) =	ssettag s2;
	_ =	strace s9  }
0x27: {  	s1 =	sld [smem:$0x3FA7]  }
0x28: {  	s2 =	sld [smem:$0x3FA8]  }
0x29: {  	s4 =	sld [smem:$0x3FAA]  }
0x2a: {  	p0 =	seq.s32 s5, $0x0;
	s5 =	sld [smem:$0x3FAB]  }
0x2b: {  	s6 =	sld [smem:$0x3FAC]  }
0x2c: {  	s7 =	sld [smem:$0x3FAD]  }
0x2d: {  	s3 =	simm.s32 $0x108;
	s8 =	sld [smem:$0x3FAE]  }
0x2e: {  	s3 =	simm.s32 @!p0 $0x1082;
	s9 =	sld [smem:$0x3FAF]  }
0x2f: {  	lr =	sadd.s32 s0, s3;
	s0 =	sld [smem:$0x3FA6]  }
0x30: {  	s3 =	sld [smem:$0x3FA9]  }
0x31: {  	[smem:$0x3FB2] =	sst s10  }
0x32: {  	s10 =	sld [smem:$0x3FB0];
	_ =	sdelay $0x3  }
0x33: {  	p0 =	seq.s32 s10, $0x1;
	s10 =	sld [smem:$0x3FB2];
	_ =	sdelay $0x3  }
0x34: {  	[smem:$0x3FB2] =	sst s10  }
0x35: {  	s10 =	sld [smem:$0x3FB1];
	_ =	sdelay $0x3  }
0x36: {  	p1 =	seq.s32 s10, $0x1;
	s10 =	sld [smem:$0x3FB2];
	_ =	sdelay $0x3  }
0x37: {  	[smem:$0x3FB2] =	sst s10  }
0x38: {  	s10 =	sld [smem:$0x3FB3]  }
0x39: {  	_ = 	snop;
	(pc) =	sbr.ind lr, $3  }
0x3a: {  	_ = 	snop  }
0x3b: {  	_ = 	snop  }
0x3c: {  	p2 =	seq.s32 s10, $0x1;
	s10 =	sld [smem:$0x3FB2]  }
0x3d: {  	_ =	shalt  }
0x3e: {  	_ =	shalt  }
0x3f: {  	_ =	shalt  }
0x40: {  	_ =	shalt  }
0x41: {  	_ =	shalt  }
0x42: {  	_ =	shalt  }
0x43: {  	_ =	shalt  }
0x44: {  	_ =	shalt  }
0x45: {  	_ =	shalt  }
0x46: {  	_ =	shalt  }
0x47: {  	_ =	shalt  }
0x48: {  	_ =	shalt  }
0x49: {  	_ =	shalt  }
0x4a: {  	_ =	shalt  }
0x4b: {  	_ =	shalt  }
0x4c: {  	_ =	shalt  }
0x4d: {  	_ =	shalt  }
0x4e: {  	_ =	shalt  }
0x4f: {  	_ =	shalt  }
0x50: {  	_ =	shalt  }
0x51: {  	_ =	shalt  }
0x52: {  	_ =	shalt  }
0x53: {  	_ =	shalt  }
0x54: {  	_ =	shalt  }
0x55: {  	_ =	shalt  }
0x56: {  	_ =	shalt  }
0x57: {  	_ =	shalt  }
0x58: {  	_ =	shalt  }
0x59: {  	_ =	shalt  }
0x5a: {  	_ =	shalt  }
0x5b: {  	_ =	shalt  }
0x5c: {  	_ =	shalt  }
0x5d: {  	_ =	shalt  }
0x5e: {  	_ =	shalt  }
0x5f: {  	_ =	shalt  }
0x60: {  	_ =	shalt  }
0x61: {  	_ =	shalt  }
0x62: {  	_ =	shalt  }
0x63: {  	_ =	shalt  }
0x64: {  	_ =	shalt  }
0x65: {  	_ =	shalt  }
0x66: {  	_ =	shalt  }
0x67: {  	_ =	shalt  }
0x68: {  	_ =	shalt  }
0x69: {  	_ =	shalt  }
0x6a: {  	_ =	shalt  }
0x6b: {  	_ =	shalt  }
0x6c: {  	_ =	shalt  }
0x6d: {  	_ =	shalt  }
0x6e: {  	_ =	shalt  }
0x6f: {  	_ =	shalt  }
0x70: {  	_ =	shalt  }
0x71: {  	_ =	shalt  }
0x72: {  	_ =	shalt  }
0x73: {  	_ =	shalt  }
0x74: {  	_ =	shalt  }
0x75: {  	_ =	shalt  }
0x76: {  	_ =	shalt  }
0x77: {  	_ =	shalt  }
0x78: {  	_ =	shalt  }
0x79: {  	_ =	shalt  }
0x7a: {  	_ =	shalt  }
0x7b: {  	_ =	shalt  }
0x7c: {  	_ =	shalt  }
0x7d: {  	_ =	shalt  }
0x7e: {  	_ =	shalt  }
0x7f: {  	_ =	shalt  }
0x80: {  	_ =	shalt  }
0x81: {  	_ =	shalt  }
0x82: {  	_ =	shalt  }
0x83: {  	_ =	shalt  }
0x84: {  	_ =	shalt  }
0x85: {  	_ =	shalt  }
0x86: {  	_ =	shalt  }
0x87: {  	_ =	shalt  }
.Lfunc_end0:
.L_simem_size_0:
called_computation.2_lowered:
.L_overlay_start_0:
0x88: {  	s2 =	sld [smem:$0x3FD9]  }
0x89: {  	s3 =	sld [smem:$0x3FFE];
	_ =	sdelay $0x1  }
0x8a: {  	s1 =	srdreg.scid  }
0x8b: {  	s0 =	sand.u32 $0x1, s1  }
0x8c: {  	s16 =	sshll.u32 s0, $0xA;
	s2 =	sadd.s32 s3, s2  }
0x8d: {  	s2 =	sadd.s32 s2, s16  }
0x8e: {  	[smem:$0x3FBE] =	sst s2  }
0x8f: {  	_ = 	snop  }
0x90: {  	(tm) =	ssettm $0x1  }
0x91: {  	s17 =	sld [smem:$0x3FFB];
	_ =	sdelay $0x3  }
0x92: {  	_ =	strace s17  }
0x93: {  	s2 =	sld [smem:$0x3FFC];
	_ =	sdelay $0x3  }
0x94: {  	_ =	strace s2  }
0x95: {  	s2 =	sld [smem:$0x3FFD];
	_ =	sdelay $0x3  }
0x96: {  	_ =	strace s2  }
0x97: {  	_ =	strace $0x8FFFFFFF  }
0x98: {  	s18 =	sld [smem:$0x3FDB];
	_ =	sdelay $0x1  }
0x99: {  	s19 =	simm.s32 $_scs_section_size  }
0x9a: {  	s4 =	simm.s32 $_size__tile_overlayer_lowered;
	s5 =	simm.s32 $_tile_overlayer_lowered  }
0x9b: {  	s22 =	simm.s32 $0x1BFF;
	s21 =	sshll.u32 s5, $0x1;
	s2 =	sadd.s32 s19, s18  }
0x9c: {  	s6 =	simm.s32 $0x0;
	s20 =	sshll.u32 s4, $0x1;
	s4 =	sadd.s32 s21, s2  }
0x9d: {  	[timem:s6], [sflag:s22] =	dma.local [hbm:s4], s20  }
0x9e: {  	_ =	swait.ge [sflag:s22], s20  }
0x9f: {  	s3 =	ssub.s32 $0x0, s20;
	[sflag:s22] =	ssyncset.done $0x0  }
0xa0: {  	[sflag:s22] =	ssyncadd.s32 s3;
	_ =	sdelay $0x1  }
0xa1: {  	s23 =	simm.s32 $0x1B8B  }
0xa2: {  	_ =	swait.ge [sflag:s23], $0x1  }
0xa3: {  	[sflag:s23] =	ssyncset.done $0x0  }
0xa4: {  	s25 =	simm.s32 $0x1B8E;
	s24 =	sld [smem:$0x3FFE];
	[sflag:s23] =	ssyncadd.s32 $0xFFFFFFFF  }
0xa5: {  	s26 =	simm.s32 $execute0_lowered;
	[smem:$0x3FD2] =	sst s25  }
0xa6: {  	s4 =	sshll.u32 s26, $0x1;
	_ =	strace $0x8000004C;
	[dreg:$0x1] =	wrdreg $0xFFFFFFFF  }
0xa7: {  	s28 =	simm.s32 $_size_execute0_lowered;
	s2 =	sadd.s32 s2, s4;
	[dreg:$0x0] =	wrdreg $0x0  }
0xa8: {  	s4 =	sshll.u32 s28, $0x1;
	[dreg:$0x2] =	wrdreg s2  }
0xa9: {  	[dreg:$0x3] =	wrdreg s4  }
0xaa: {  	[dreg:$0x4] =	wrdreg $0xC0  }
0xab: {  	_ =	task [dreg:s6], $0x5FFFF  }
0xac: {  	[dreg:$0x1] =	wrdreg $0xFFFFFFFF  }
0xad: {  	[dreg:$0x0] =	wrdreg $0x60  }
0xae: {  	[dreg:$0x2] =	wrdreg s24  }
0xaf: {  	[dreg:$0x3] =	wrdreg $0xA5000  }
0xb0: {  	[dreg:$0x4] =	wrdreg $0x9  }
0xb1: {  	_ =	task.clear_ibuf [dreg:s6], $0x5FFFF;
	_ =	strace $0x9000004C  }
0xb2: {  	s29 =	simm.s32 $0x9;
	_ =	strace $0x8000004E  }
0xb3: {  	_ =	swait.ge [sflag:s29], $0x1  }
0xb4: {  	[sflag:s29] =	ssyncadd.s32 $0xFFFFFFFF  }
0xb5: {  	_ =	strace $0x9000004E  }
0xb6: {  	_ =	sfence  }
0xb7: {  	s30 =	sld [smem:$0x0];
	_ =	sdelay $0x2  }
0xb8: {  	s31 =	sshll.u32 s1, $0xD;
	s1 =	sshrl.u32 s1, $0x2  }
0xb9: {  	s3 =	sand.u32 $0x4000, s31;
	s1 =	sadd.s32 s1, s30  }
0xba: {  	s0 =	sor.u32 s3, s0;
	s1 =	sshll.u32 s1, $0x11  }
0xbb: {  	s0 =	sor.u32 s1, s0  }
0xbc: {  	s0 =	sadd.s32 $0x8F2B, s0  }
0xbd: {  	[sflag:s0] =	ssyncadd.remote.s32 $0x1  }
0xbe: {  	_ =	sfence.sel $0xFFFF  }
0xbf: {  	[dreg:$0x0] =	wrdreg $0xFFFFFFFF;
	(pc) =	sbr.abs _section_cstart, $3  }
0xc0: {  	[dreg:$0x1] =	wrdreg $0xFFFFFFFF  }
0xc1: {  	_ =	task.clear_ibuf [dreg:s6], $0x2FFFF;
	_ =	strace $0x9FFFFFFF  }
0xc2: {  	(tm) =	ssettm $0x7FFFFFFF  }
0xc3: {  	_ =	shalt  }
tec
execute0_lowered:
.L_overlay_start_1:
0x0: {  	(tag) =	ssettag $0x1  }
0x1: {  	s0 =	rddreg [dreg:$0x0]  }
0x2: {  	s2 =	rddreg [dreg:$0x1];
	s3 =	simm.s32 $0x0;
	s12 =	stileid.u32  }
0x3: {  	s1 =	srdreg.scid;
	s28 =	simm.s32 $0x300;
	s29 =	simm.s32 $0x5500  }
0x4: {  	s30 =	simm.s32 $0x2;
	s31 =	simm.s32 $0x400;
	[smem:$0x7FF] =	sst s3  }
0x5: {  	s7 =	smul.u32 $0x2800, s12;
	s1 =	sand.u32 $0x1, s1;
	s4 =	sadd.s32 $0x16600, s0  }
0x6: {  	s5 =	sadd.s32 $0xC800, s0;
	s6 =	sadd.s32 $0x2A00, s0;
	s13 =	smul.u32 $0x50000, s12  }
0x7: {  	s10 =	sshll.u32 s12, $0x1;
	s16 =	sshll.u32 s12, $0x6;
	s17 =	smul.u32 $0x4E20, s12  }
0x8: {  	_ =	strace $0x8000004D;
	s8 =	smul.u32 $0x28000, s1;
	s14 =	ssub.s32 $0x2, s1  }
0x9: {  	s10 =	sor.u32 s1, s10;
	s1 =	smul.u32 $0x2710, s1;
	s9 =	sadd.s32 s7, s0  }
0xa: {  	s11 =	sshrl.u32 s14, $0x1;
	s10 =	smul.u32 $0x2710, s10;
	s7 =	sadd.s32 s7, s8  }
0xb: {  	s8 =	sshrl.u32 s13, $0x2;
	s15 =	sadd.s32 $0x48600, s9;
	s1 =	sadd.s32 s1, s17  }
0xc: {  	s0 =	sadd.s32 s7, s0;
	s7 =	ssub.s32 s14, s11;
	s20 =	sadd.s32 s8, s2  }
0xd: {  	[dreg:$0x3] =	wrdreg s15;
	s8 =	sor.u32 $0x1C03, s16;
	s10 =	sshrl.u32 s10, $0x3  }
0xe: {  	s25 =	sadd.s32 $0x1E0, s1;
	s18 =	sadd.s32 s5, s10;
	s19 =	sadd.s32 s6, s10  }
0xf: {  	s21 =	sadd.s32 $0x14, s10;
	s10 =	sadd.s32 $0x4D8, s10;
	s15 =	sadd.s32 $0x70600, s0  }
0x10: {  	s26 =	sshrl.u32 s25, $0x3;
	s16 =	smax.u32 s7, $0x1;
	s20 =	sshrl.u32 s20, $0x3  }
0x11: {  	s25 =	simm.s32 $0x1;
	s0 =	simm.s32 $0x480;
	[dreg:$0x4] =	wrdreg s18  }
0x12: {  	s7 =	simm.s32 $0x0;
	[dreg:$0x5] =	wrdreg s19;
	s22 =	sadd.s32 s5, s21  }
0x13: {  	s23 =	sadd.s32 s6, s21;
	s24 =	sadd.s32 s5, s10;
	s14 =	sadd.s32 s6, s10  }
0x14: {  	s17 =	sadd.s32 s26, s6;
	s18 =	sadd.s32 s26, s5;
	[dreg:$0x6] =	wrdreg s22  }
0x15: {  	s19 =	sadd.s32 $0x140, s1;
	s21 =	simm.s32 $0x3;
	[dreg:$0x7] =	wrdreg s23  }
0x16: {  	s26 =	simm.s32 $0x200;
	s1 =	simm.s32 $0x50;
	[dreg:$0x8] =	wrdreg s24  }
0x17: {  	s22 =	simm.s32 $0x100;
	s23 =	simm.s32 $0xA0;
	s24 =	simm.s32 $0x500  }
.LBB2_1:
0x18: {  	s9 =	rddreg [dreg:$0x3]  }
0x19: {  	[spmem:s20], [sflag:s8] =	dma.local [hbm:s9], $0x2800  }
0x1a: {  	_ =	swait.ge [sflag:s21], $0x2800  }
0x1b: {  	[sflag:s21] =	ssyncset.done $0x0  }
0x1c: {  	[sflag:s21] =	ssyncadd.s32 $0xFFFFD800  }
0x1d: {  	[bflag:$0x0] =	sbarrier.arrive $0xFFFF  }
0x1e: {  	s11 =	rddreg [dreg:$0x4]  }
0x1f: {  	[tilespmem:s3], [sflag:$0x3] =	stream.linear.gather [hbm4b:s11+s3], $0xA0, $0x38;
	[tilespmem:$0x1E500] =	vst v63  }
0x20: {  	_ =	swait.ge [sflag:s21], $0xA0  }
0x21: {  	[sflag:s21] =	ssyncset.done $0x0  }
0x22: {  	s12 =	rddreg [dreg:$0x5];
	[sflag:s21] =	ssyncadd.s32 $0xFFFFFF60  }
0x23: {  	[tilespmem:s22], [sflag:$0x3] =	stream.linear.gather [hbm4b:s12+s3], $0xA0, $0x38;
	[tilespmem:$0x1E500] =	vst v63  }
0x24: {  	_ =	swait.ge [sflag:s21], $0xA0  }
0x25: {  	[sflag:s21] =	ssyncset.done $0x0  }
0x26: {  	[sflag:s21] =	ssyncadd.s32 $0xFFFFFF60  }
0x27: {  	[tilespmem:s24], [sflag:$0x1] =	stream.indirect.gather [hbm4b:s4+s23], $0x80, s3, s23, $0xb8;
	[tilespmem:$0x1E500] =	vst v63  }
0x28: {  	_ =	swait.ge [sflag:s25], $0x5000  }
0x29: {  	[sflag:s25] =	ssyncset.done $0x0  }
0x2a: {  	[sflag:s25] =	ssyncadd.s32 $0xFFFFB000  }
0x2b: {  	[spmem:s2] =	stream.indirect.scatter.add.f32 [tilespmem:s24], [sflag:$0x2], $0x80, s22, s23, $0xb8;
	[tilespmem:$0x1E500] =	vst v63  }
0x2c: {  	s13 =	rddreg [dreg:$0x6]  }
0x2d: {  	[tilespmem:s26], [sflag:$0x3] =	stream.linear.gather [hbm4b:s13+s3], $0xA0, $0x38;
	[tilespmem:$0x1E500] =	vst v63  }
0x2e: {  	_ =	swait.ge [sflag:s21], $0xA0  }
0x2f: {  	[sflag:s21] =	ssyncset.done $0x0  }
0x30: {  	s10 =	rddreg [dreg:$0x7];
	[sflag:s21] =	ssyncadd.s32 $0xFFFFFF60  }
0x31: {  	[tilespmem:s28], [sflag:$0x3] =	stream.linear.gather [hbm4b:s10+s3], $0xA0, $0x38;
	[tilespmem:$0x1E500] =	vst v63  }
0x32: {  	_ =	swait.ge [sflag:s21], $0xA0  }
0x33: {  	[sflag:s21] =	ssyncset.done $0x0  }
0x34: {  	[sflag:s21] =	ssyncadd.s32 $0xFFFFFF60  }
0x35: {  	[tilespmem:s29], [sflag:$0x1] =	stream.indirect.gather [hbm4b:s4+s23], $0x80, s26, s23, $0xb8;
	[tilespmem:$0x1E500] =	vst v63  }
0x36: {  	_ =	swait.ge [sflag:s25], $0x5000  }
0x37: {  	[sflag:s25] =	ssyncset.done $0x0  }
0x38: {  	[sflag:s25] =	ssyncadd.s32 $0xFFFFB000  }
0x39: {  	[spmem:s2] =	stream.indirect.scatter.add.f32 [tilespmem:s29], [sflag:$0x2], $0x80, s28, s23, $0xb8;
	[tilespmem:$0x1E500] =	vst v63  }
0x3a: {  	_ =	swait.ge [sflag:s30], $0x5000  }
0x3b: {  	s11 =	sshrl.u32 s19, $0x3;
	[sflag:s30] =	ssyncset.done $0x0  }
0x3c: {  	s10 =	sadd.s32 s5, s11;
	[sflag:s30] =	ssyncadd.s32 $0xFFFFB000  }
0x3d: {  	[tilespmem:s3], [sflag:$0x3] =	stream.linear.gather [hbm4b:s10+s3], $0xA0, $0x38;
	[tilespmem:$0x1E500] =	vst v63  }
0x3e: {  	_ =	swait.ge [sflag:s21], $0xA0  }
0x3f: {  	[sflag:s21] =	ssyncset.done $0x0  }
0x40: {  	s9 =	sadd.s32 s6, s11;
	[sflag:s21] =	ssyncadd.s32 $0xFFFFFF60  }
0x41: {  	[tilespmem:s22], [sflag:$0x3] =	stream.linear.gather [hbm4b:s9+s3], $0xA0, $0x38;
	[tilespmem:$0x1E500] =	vst v63  }
0x42: {  	_ =	swait.ge [sflag:s21], $0xA0  }
0x43: {  	[sflag:s21] =	ssyncset.done $0x0  }
0x44: {  	[sflag:s21] =	ssyncadd.s32 $0xFFFFFF60  }
0x45: {  	[tilespmem:s24], [sflag:$0x1] =	stream.indirect.gather [hbm4b:s4+s23], $0x80, s3, s23, $0xb8;
	[tilespmem:$0x1E500] =	vst v63  }
0x46: {  	_ =	swait.ge [sflag:s25], $0x5000  }
0x47: {  	[sflag:s25] =	ssyncset.done $0x0  }
0x48: {  	[sflag:s25] =	ssyncadd.s32 $0xFFFFB000  }
0x49: {  	[spmem:s2] =	stream.indirect.scatter.add.f32 [tilespmem:s24], [sflag:$0x2], $0x80, s22, s23, $0xb8;
	[tilespmem:$0x1E500] =	vst v63  }
0x4a: {  	_ =	swait.ge [sflag:s30], $0x5000  }
0x4b: {  	[sflag:s30] =	ssyncset.done $0x0  }
0x4c: {  	s12 =	sadd.s32 $0x0, s18;
	[sflag:s30] =	ssyncadd.s32 $0xFFFFB000  }
0x4d: {  	[tilespmem:s26], [sflag:$0x3] =	stream.linear.gather [hbm4b:s12+s3], $0xA0, $0x38;
	[tilespmem:$0x1E500] =	vst v63  }
0x4e: {  	_ =	swait.ge [sflag:s21], $0xA0  }
0x4f: {  	[sflag:s21] =	ssyncset.done $0x0  }
0x50: {  	s13 =	sadd.s32 $0x0, s17;
	[sflag:s21] =	ssyncadd.s32 $0xFFFFFF60  }
0x51: {  	[tilespmem:s28], [sflag:$0x3] =	stream.linear.gather [hbm4b:s13+s3], $0xA0, $0x38;
	[tilespmem:$0x1E500] =	vst v63  }
0x52: {  	_ =	swait.ge [sflag:s21], $0xA0  }
0x53: {  	[sflag:s21] =	ssyncset.done $0x0  }
0x54: {  	[sflag:s21] =	ssyncadd.s32 $0xFFFFFF60  }
0x55: {  	[tilespmem:s29], [sflag:$0x1] =	stream.indirect.gather [hbm4b:s4+s23], $0x80, s26, s23, $0xb8;
	[tilespmem:$0x1E500] =	vst v63  }
0x56: {  	_ =	swait.ge [sflag:s25], $0x5000  }
0x57: {  	[sflag:s25] =	ssyncset.done $0x0  }
0x58: {  	s10 =	sadd.s32 $0x140, s19;
	s9 =	simm.s32 $0x28;
	[sflag:s25] =	ssyncadd.s32 $0xFFFFB000  }
.LBB2_2:
0x59: {  	[spmem:s2] =	stream.indirect.scatter.add.f32 [tilespmem:s29], [sflag:$0x2], $0x80, s28, s23, $0xb8;
	[tilespmem:$0x1E500] =	vst v63  }
0x5a: {  	s11 =	smov.u32 s9  }
0x5b: {  	p0 =	sne.s32 s9, $0x488;
	s9 =	sadd.s32 $0x28, s9;
	_ =	swait.ge [sflag:s30], $0x5000  }
0x5c: {  	s12 =	sshrl.u32 s10, $0x3;
	[sflag:s30] =	ssyncset.done $0x0  }
0x5d: {  	s13 =	sadd.s32 s5, s12;
	[sflag:s30] =	ssyncadd.s32 $0xFFFFB000  }
0x5e: {  	[tilespmem:s3], [sflag:$0x3] =	stream.linear.gather [hbm4b:s13+s3], $0xA0, $0x38;
	[tilespmem:$0x1E500] =	vst v63  }
0x5f: {  	_ =	swait.ge [sflag:s21], $0xA0  }
0x60: {  	[sflag:s21] =	ssyncset.done $0x0  }
0x61: {  	s12 =	sadd.s32 s6, s12;
	[sflag:s21] =	ssyncadd.s32 $0xFFFFFF60  }
0x62: {  	[tilespmem:s22], [sflag:$0x3] =	stream.linear.gather [hbm4b:s12+s3], $0xA0, $0x38;
	[tilespmem:$0x1E500] =	vst v63  }
0x63: {  	_ =	swait.ge [sflag:s21], $0xA0  }
0x64: {  	[sflag:s21] =	ssyncset.done $0x0  }
0x65: {  	[sflag:s21] =	ssyncadd.s32 $0xFFFFFF60  }
0x66: {  	[tilespmem:s24], [sflag:$0x1] =	stream.indirect.gather [hbm4b:s4+s23], $0x80, s3, s23, $0xb8;
	[tilespmem:$0x1E500] =	vst v63  }
0x67: {  	_ =	swait.ge [sflag:s25], $0x5000  }
0x68: {  	[sflag:s25] =	ssyncset.done $0x0  }
0x69: {  	[sflag:s25] =	ssyncadd.s32 $0xFFFFB000  }
0x6a: {  	[spmem:s2] =	stream.indirect.scatter.add.f32 [tilespmem:s24], [sflag:$0x2], $0x80, s22, s23, $0xb8;
	[tilespmem:$0x1E500] =	vst v63  }
0x6b: {  	_ =	swait.ge [sflag:s30], $0x5000  }
0x6c: {  	[sflag:s30] =	ssyncset.done $0x0  }
0x6d: {  	s12 =	sadd.s32 s11, s18;
	[sflag:s30] =	ssyncadd.s32 $0xFFFFB000  }
0x6e: {  	[tilespmem:s26], [sflag:$0x3] =	stream.linear.gather [hbm4b:s12+s3], $0xA0, $0x38;
	[tilespmem:$0x1E500] =	vst v63  }
0x6f: {  	_ =	swait.ge [sflag:s21], $0xA0  }
0x70: {  	[sflag:s21] =	ssyncset.done $0x0  }
0x71: {  	s11 =	sadd.s32 s11, s17;
	[sflag:s21] =	ssyncadd.s32 $0xFFFFFF60  }
0x72: {  	[tilespmem:s28], [sflag:$0x3] =	stream.linear.gather [hbm4b:s11+s3], $0xA0, $0x38;
	[tilespmem:$0x1E500] =	vst v63  }
0x73: {  	_ =	swait.ge [sflag:s21], $0xA0  }
0x74: {  	[sflag:s21] =	ssyncset.done $0x0  }
.Ltmp0:
0x75: {  	[sflag:s21] =	ssyncadd.s32 $0xFFFFFF60;
	(pc) =	sbr.rel @p0 .LBB2_2-.Ltmp0, $4  }
0x76: {  	[tilespmem:s29], [sflag:$0x1] =	stream.indirect.gather [hbm4b:s4+s23], $0x80, s26, s23, $0xb8;
	[tilespmem:$0x1E500] =	vst v63  }
0x77: {  	_ =	swait.ge [sflag:s25], $0x5000  }
0x78: {  	[sflag:s25] =	ssyncset.done $0x0  }
0x79: {  	s10 =	sadd.s32 $0x140, s10;
	[sflag:s25] =	ssyncadd.s32 $0xFFFFB000  }
0x7a: {  	[spmem:s2] =	stream.indirect.scatter.add.f32 [tilespmem:s29], [sflag:$0x2], $0x80, s28, s23, $0xb8;
	[tilespmem:$0x1E500] =	vst v63  }
0x7b: {  	_ =	swait.ge [sflag:s30], $0x5000  }
0x7c: {  	[sflag:s30] =	ssyncset.done $0x0  }
0x7d: {  	[sflag:s30] =	ssyncadd.s32 $0xFFFFB000  }
0x7e: {  	_ =	swait.ge [sflag:s30], $0x5000  }
0x7f: {  	[sflag:s30] =	ssyncset.done $0x0  }
0x80: {  	s9 =	rddreg [dreg:$0x8];
	[sflag:s30] =	ssyncadd.s32 $0xFFFFB000  }
0x81: {  	[tilespmem:s31], [sflag:$0x3] =	stream.linear.gather [hbm4b:s9+s3], $0x50, $0x38;
	[tilespmem:$0x1E500] =	vst v63  }
0x82: {  	_ =	swait.ge [sflag:s21], $0x50  }
0x83: {  	[sflag:s21] =	ssyncset.done $0x0  }
0x84: {  	[sflag:s21] =	ssyncadd.s32 $0xFFFFFFB0  }
0x85: {  	[tilespmem:s0], [sflag:$0x3] =	stream.linear.gather [hbm4b:s14+s3], $0x50, $0x38;
	[tilespmem:$0x1E500] =	vst v63  }
0x86: {  	_ =	swait.ge [sflag:s21], $0x50  }
0x87: {  	[sflag:s21] =	ssyncset.done $0x0  }
0x88: {  	[sflag:s21] =	ssyncadd.s32 $0xFFFFFFB0  }
0x89: {  	[tilespmem:s24], [sflag:$0x1] =	stream.indirect.gather [hbm4b:s4+s1], $0x80, s31, s1, $0xb8;
	[tilespmem:$0x1E500] =	vst v63  }
0x8a: {  	_ =	swait.ge [sflag:s25], $0x2800  }
0x8b: {  	[sflag:s25] =	ssyncset.done $0x0  }
0x8c: {  	[sflag:s25] =	ssyncadd.s32 $0xFFFFD800  }
0x8d: {  	[spmem:s2] =	stream.indirect.scatter.add.f32 [tilespmem:s24], [sflag:$0x3], $0x80, s0, s1, $0xb8;
	[tilespmem:$0x1E500] =	vst v63  }
0x8e: {  	_ =	swait.ge [sflag:s21], $0x2800  }
0x8f: {  	s7 =	sadd.s32 $0x1, s7;
	[sflag:s21] =	ssyncset.done $0x0  }
0x90: {  	p0 =	sne.s32 s7, s16;
	[sflag:s21] =	ssyncadd.s32 $0xFFFFD800  }
.Ltmp1:
0x91: {  	[bflag:$0x0] =	sbarrier.arrive $0xFFFF;
	(pc) =	sbr.rel @p0 .LBB2_1-.Ltmp1, $4  }
0x92: {  	[hbm:s15], [sflag:s8] =	dma.local [spmem:s20], $0x2800  }
0x93: {  	_ =	swait.ge [sflag:s21], $0x2800  }
0x94: {  	[sflag:s21] =	ssyncset.done $0x0  }
0x95: {  	[sflag:s21] =	ssyncadd.s32 $0xFFFFD800  }
0x96: {  	_ =	sfence.sel $0x180000  }
0x97: {  	[bflag:$0x0] =	sbarrier.arrive $0xFFFF  }
0x98: {  	_ =	strace $0x9000004D  }
0x99: {  	s0 =	stileid.u32;
	[bflag:$0x2] =	sbarrier.arrive $0xFFFF  }
0x9a: {  	p0 =	sne.s32 s0, $0x0;
	s0 =	rddreg [dreg:$0x2]  }
0x9b: {  	s0 =	sadd.s32 @!p0 $0x100000, s0  }
0x9c: {  	[sflag:s0] =	ssyncadd.tile.s32 @!p0 $0x1;
	_ =	shalt  }
.Lfunc_end2:
_tile_overlayer_lowered:
.L_overlay_start_2:
0x9d: {  	(tag) =	ssettag $0x2  }
0x9e: {  	s0 =	rddreg [dreg:$0x0];
	s2 =	stileid.u32  }
0x9f: {  	s1 =	rddreg [dreg:$0x1];
	p0 =	sne.s32 s2, $0x0  }
0xa0: {  	s3 =	rddreg [dreg:$0x2];
	[bflag:$0x3] =	sbarrier.arrive $0xFFFF;
	s2 =	simm.s32 @!p0 $0x1C03  }
0xa1: {  	[timem:s3], [sflag:s2] =	dma.local @!p0 [hbm:s0], s1  }
0xa2: {  	s0 =	simm.s32 @!p0 $0x3  }
0xa3: {  	_ =	swait.ge @!p0 [sflag:s0], s1  }
0xa4: {  	s1 =	ssub.s32 @!p0 $0x0, s1;
	[sflag:s0] =	ssyncset.done @!p0 $0x0  }
0xa5: {  	[sflag:s0] =	ssyncadd.s32 @!p0 s1  }
0xa6: {  	[bflag:$0x3] =	sbarrier.arrive $0xFFFF  }
0xa7: {  	_ =	shalt  }

// kernel: kernel.8.cloned.1.call-start
scs
__scs_entry_jumppad:
0x0: {  	(pc) =	sbr.rel $0x88, $3  }
0x1: {  	(tag) =	ssettag $0x0;
	lr =	simm.s32 $0x1  }
0x2: {  	[smem:$0x3F97] =	sst lr;
	_ =	strace $0xD0000000  }
0x3: {  	_ = 	snop  }
0x4: {  	_ = 	snop  }
0x5: {  	_ = 	snop  }
0x6: {  	_ = 	snop  }
0x7: {  	_ = 	snop  }
__scs_overlays_trampoline_lowered:
0x8: {  	[smem:$0x3FA6] =	sst s0  }
0x9: {  	[smem:$0x3FA7] =	sst s1  }
0xa: {  	[smem:$0x3FA8] =	sst s2  }
0xb: {  	[smem:$0x3FA9] =	sst s3  }
0xc: {  	[smem:$0x3FAA] =	sst s4  }
0xd: {  	[smem:$0x3FAB] =	sst s5  }
0xe: {  	[smem:$0x3FAC] =	sst s6  }
0xf: {  	[smem:$0x3FAD] =	sst s7  }
0x10: {  	[smem:$0x3FAE] =	sst s8  }
0x11: {  	[smem:$0x3FAF] =	sst s9;
	s0 =	simm.s32 @!p0 $0x0  }
0x12: {  	s1 =	sld [smem:$0x3F95];
	s0 =	simm.s32 @p0 $0x1  }
0x13: {  	[smem:$0x3FB0] =	sst s0;
	s0 =	simm.s32 @!p1 $0x0  }
0x14: {  	s2 =	sld [smem:$0x3F94];
	s0 =	simm.s32 @p1 $0x1  }
0x15: {  	[smem:$0x3FB1] =	sst s0;
	s0 =	simm.s32 @!p2 $0x0  }
0x16: {  	s3 =	sld [smem:$0x3FDB];
	s0 =	simm.s32 @p2 $0x1  }
0x17: {  	s4 =	simm.s32 $0x1BF5;
	[smem:$0x3FB3] =	sst s0  }
0x18: {  	s0 =	sld [smem:$0x3F96];
	_ =	swait.ge [sflag:s4], $0x0  }
0x19: {  	s7 =	sld [smem:$0x3F97]  }
0x1a: {  	s8 =	sadd.s32 $0xFFFFE003, lr  }
0x1b: {  	s9 =	sadd.s32 $0xFFFFFEF7, lr;
	s5 =	simm.s32 $0xFFFFFFFF;
	p2 =	slt.u32 s8, $0xFFFFF086  }
0x1c: {  	p1 =	slt.u32 s9, $0xF7A;
	s5 =	simm.s32 @!p2 $0x0  }
0x1d: {  	s5 =	simm.s32 @p1 $0x1;
	p0 =	seq.s32 s7, s2  }
0x1e: {  	s7 =	smul.u32 @!p0 $0xF7A, s2;
	p2 =	seq.s32 @!p0 s5, $0x0  }
0x1f: {  	s9 =	smul.u32 $0xF7A, s1;
	s8 =	simm.s32 @!p0 $0x1BF5;
	p2 =	por !p2, p0  }
0x20: {  	[sflag:s8] =	ssyncset.s32 @!p0 $0xFFFFF086;
	s6 =	sadd.s32 @!p0 s3, s7;
	s7 =	simm.s32 @!p0 $0x108  }
0x21: {  	s3 =	sadd.s32 s3, s9;
	s6 =	sadd.s32 @!p0 $0x88, s6;
	s7 =	simm.s32 @p2 $0x1082  }
0x22: {  	[simem:s7], [sflag:s8] =	dma.local @!p0 [hbm:s6], $0xF7A  }
0x23: {  	s9 =	sor.u32 $0xD0000000, s2;
	s6 =	simm.s32 $0x108;
	_ =	swait.ge @!p0 [sflag:s8], $0x0  }
0x24: {  	s3 =	sadd.s32 $0x88, s3;
	s6 =	simm.s32 @!p1 $0x1082;
	[sflag:s4] =	ssyncset.s32 $0xFFFFF086  }
0x25: {  	[simem:s6], [sflag:s4] =	dma.local [hbm:s3], $0xF7A  }
0x26: {  	[smem:$0x3F97] =	sst s1;
	(tag) =	ssettag s2;
	_ =	strace s9  }
0x27: {  	s1 =	sld [smem:$0x3FA7]  }
0x28: {  	s2 =	sld [smem:$0x3FA8]  }
0x29: {  	s4 =	sld [smem:$0x3FAA]  }
0x2a: {  	p0 =	seq.s32 s5, $0x0;
	s5 =	sld [smem:$0x3FAB]  }
0x2b: {  	s6 =	sld [smem:$0x3FAC]  }
0x2c: {  	s7 =	sld [smem:$0x3FAD]  }
0x2d: {  	s3 =	simm.s32 $0x108;
	s8 =	sld [smem:$0x3FAE]  }
0x2e: {  	s3 =	simm.s32 @!p0 $0x1082;
	s9 =	sld [smem:$0x3FAF]  }
0x2f: {  	lr =	sadd.s32 s0, s3;
	s0 =	sld [smem:$0x3FA6]  }
0x30: {  	s3 =	sld [smem:$0x3FA9]  }
0x31: {  	[smem:$0x3FB2] =	sst s10  }
0x32: {  	s10 =	sld [smem:$0x3FB0];
	_ =	sdelay $0x3  }
0x33: {  	p0 =	seq.s32 s10, $0x1;
	s10 =	sld [smem:$0x3FB2];
	_ =	sdelay $0x3  }
0x34: {  	[smem:$0x3FB2] =	sst s10  }
0x35: {  	s10 =	sld [smem:$0x3FB1];
	_ =	sdelay $0x3  }
0x36: {  	p1 =	seq.s32 s10, $0x1;
	s10 =	sld [smem:$0x3FB2];
	_ =	sdelay $0x3  }
0x37: {  	[smem:$0x3FB2] =	sst s10  }
0x38: {  	s10 =	sld [smem:$0x3FB3]  }
0x39: {  	_ = 	snop;
	(pc) =	sbr.ind lr, $3  }
0x3a: {  	_ = 	snop  }
0x3b: {  	_ = 	snop  }
0x3c: {  	p2 =	seq.s32 s10, $0x1;
	s10 =	sld [smem:$0x3FB2]  }
0x3d: {  	_ =	shalt  }
0x3e: {  	_ =	shalt  }
0x3f: {  	_ =	shalt  }
0x40: {  	_ =	shalt  }
0x41: {  	_ =	shalt  }
0x42: {  	_ =	shalt  }
0x43: {  	_ =	shalt  }
0x44: {  	_ =	shalt  }
0x45: {  	_ =	shalt  }
0x46: {  	_ =	shalt  }
0x47: {  	_ =	shalt  }
0x48: {  	_ =	shalt  }
0x49: {  	_ =	shalt  }
0x4a: {  	_ =	shalt  }
0x4b: {  	_ =	shalt  }
0x4c: {  	_ =	shalt  }
0x4d: {  	_ =	shalt  }
0x4e: {  	_ =	shalt  }
0x4f: {  	_ =	shalt  }
0x50: {  	_ =	shalt  }
0x51: {  	_ =	shalt  }
0x52: {  	_ =	shalt  }
0x53: {  	_ =	shalt  }
0x54: {  	_ =	shalt  }
0x55: {  	_ =	shalt  }
0x56: {  	_ =	shalt  }
0x57: {  	_ =	shalt  }
0x58: {  	_ =	shalt  }
0x59: {  	_ =	shalt  }
0x5a: {  	_ =	shalt  }
0x5b: {  	_ =	shalt  }
0x5c: {  	_ =	shalt  }
0x5d: {  	_ =	shalt  }
0x5e: {  	_ =	shalt  }
0x5f: {  	_ =	shalt  }
0x60: {  	_ =	shalt  }
0x61: {  	_ =	shalt  }
0x62: {  	_ =	shalt  }
0x63: {  	_ =	shalt  }
0x64: {  	_ =	shalt  }
0x65: {  	_ =	shalt  }
0x66: {  	_ =	shalt  }
0x67: {  	_ =	shalt  }
0x68: {  	_ =	shalt  }
0x69: {  	_ =	shalt  }
0x6a: {  	_ =	shalt  }
0x6b: {  	_ =	shalt  }
0x6c: {  	_ =	shalt  }
0x6d: {  	_ =	shalt  }
0x6e: {  	_ =	shalt  }
0x6f: {  	_ =	shalt  }
0x70: {  	_ =	shalt  }
0x71: {  	_ =	shalt  }
0x72: {  	_ =	shalt  }
0x73: {  	_ =	shalt  }
0x74: {  	_ =	shalt  }
0x75: {  	_ =	shalt  }
0x76: {  	_ =	shalt  }
0x77: {  	_ =	shalt  }
0x78: {  	_ =	shalt  }
0x79: {  	_ =	shalt  }
0x7a: {  	_ =	shalt  }
0x7b: {  	_ =	shalt  }
0x7c: {  	_ =	shalt  }
0x7d: {  	_ =	shalt  }
0x7e: {  	_ =	shalt  }
0x7f: {  	_ =	shalt  }
0x80: {  	_ =	shalt  }
0x81: {  	_ =	shalt  }
0x82: {  	_ =	shalt  }
0x83: {  	_ =	shalt  }
0x84: {  	_ =	shalt  }
0x85: {  	_ =	shalt  }
0x86: {  	_ =	shalt  }
0x87: {  	_ =	shalt  }
.Lfunc_end0:
.L_simem_size_0:
called_computation_lowered:
.L_overlay_start_0:
0x88: {  	s2 =	sld [smem:$0x3FD9]  }
0x89: {  	s3 =	sld [smem:$0x3FFE];
	_ =	sdelay $0x1  }
0x8a: {  	s1 =	srdreg.scid  }
0x8b: {  	s0 =	sand.u32 $0x1, s1  }
0x8c: {  	s17 =	sshll.u32 s0, $0xA;
	s2 =	sadd.s32 s3, s2  }
0x8d: {  	s2 =	sadd.s32 s2, s17  }
0x8e: {  	[smem:$0x3FBE] =	sst s2  }
0x8f: {  	_ = 	snop  }
0x90: {  	(tm) =	ssettm $0x1  }
0x91: {  	s18 =	sld [smem:$0x3FFB];
	_ =	sdelay $0x3  }
0x92: {  	_ =	strace s18  }
0x93: {  	s2 =	sld [smem:$0x3FFC];
	_ =	sdelay $0x3  }
0x94: {  	_ =	strace s2  }
0x95: {  	s2 =	sld [smem:$0x3FFD];
	_ =	sdelay $0x3  }
0x96: {  	_ =	strace s2  }
0x97: {  	_ =	strace $0x8FFFFFFF  }
0x98: {  	s19 =	sld [smem:$0x3FDB];
	_ =	sdelay $0x1  }
0x99: {  	s20 =	simm.s32 $_scs_section_size  }
0x9a: {  	s4 =	simm.s32 $_size__tile_overlayer_lowered;
	s5 =	simm.s32 $_tile_overlayer_lowered  }
0x9b: {  	s6 =	simm.s32 $0x1BFF;
	s21 =	sshll.u32 s5, $0x1;
	s3 =	sadd.s32 s20, s19  }
0x9c: {  	s22 =	simm.s32 $0x0;
	s4 =	sshll.u32 s4, $0x1;
	s5 =	sadd.s32 s21, s3  }
0x9d: {  	[timem:s22], [sflag:s6] =	dma.local [hbm:s5], s4  }
0x9e: {  	_ =	swait.ge [sflag:s6], s4  }
0x9f: {  	s4 =	ssub.s32 $0x0, s4;
	[sflag:s6] =	ssyncset.done $0x0  }
0xa0: {  	[sflag:s6] =	ssyncadd.s32 s4;
	_ =	sdelay $0x1  }
0xa1: {  	s23 =	simm.s32 $0x1B8B  }
0xa2: {  	_ =	swait.ge [sflag:s23], $0x1  }
0xa3: {  	[sflag:s23] =	ssyncset.done $0x0  }
0xa4: {  	[sflag:s23] =	ssyncadd.s32 $0xFFFFFFFF  }
0xa5: {  	s4 =	sld [smem:$0x0]  }
0xa6: {  	s5 =	sand.u32 $0xFFFFFFFE, s1  }
0xa7: {  	p0 =	sne.s32 s1, s5  }
0xa8: {  	s5 =	sshll.u32 @p0 s5, $0xE  }
0xa9: {  	s5 =	sadd.s32 @p0 $0x11B8D, s5;
	s6 =	sshll.u32 @p0 s4, $0x11  }
0xaa: {  	s5 =	sor.u32 @p0 s6, s5  }
0xab: {  	[sflag:s5] =	ssyncadd.remote.s32 @p0 $0x1;
	_ =	sdelay $0x1  }
0xac: {  	s5 =	simm.s32 @p0 $0x1B8D  }
0xad: {  	_ =	swait.eq @p0 [sflag:s5], $0x1  }
0xae: {  	[sflag:s5] =	ssyncadd.s32 @p0 $0xFFFFFFFF  }
0xaf: {  	s6 =	sshll.u32 @!p0 s1, $0xE  }
0xb0: {  	s6 =	sor.u32 @!p0 $0x4000, s6;
	s5 =	simm.s32 @!p0 $0x1B8D  }
0xb1: {  	s4 =	sshll.u32 @!p0 s4, $0x11;
	s6 =	sadd.s32 @!p0 $0x11B8D, s6;
	_ =	swait.eq @!p0 [sflag:s5], $0x1  }
0xb2: {  	s4 =	sor.u32 @!p0 s4, s6;
	[sflag:s5] =	ssyncadd.s32 @!p0 $0xFFFFFFFF  }
0xb3: {  	s25 =	simm.s32 $0x1B8E;
	s24 =	sld [smem:$0x3FFE];
	[sflag:s4] =	ssyncadd.remote.s32 @!p0 $0x1  }
0xb4: {  	s26 =	simm.s32 $execute0_lowered;
	[smem:$0x3FD2] =	sst s25  }
0xb5: {  	s5 =	sshll.u32 s26, $0x1;
	_ =	strace $0x80000049;
	[dreg:$0x1] =	wrdreg $0xFFFFFFFF  }
0xb6: {  	s28 =	simm.s32 $_size_execute0_lowered;
	s3 =	sadd.s32 s3, s5;
	[dreg:$0x0] =	wrdreg $0x0  }
0xb7: {  	s5 =	sshll.u32 s28, $0x1;
	[dreg:$0x2] =	wrdreg s3  }
0xb8: {  	[dreg:$0x3] =	wrdreg s5  }
0xb9: {  	[dreg:$0x4] =	wrdreg $0xC0  }
0xba: {  	_ =	task [dreg:s22], $0x5FFFF  }
0xbb: {  	[dreg:$0x1] =	wrdreg $0xFFFFFFFF  }
0xbc: {  	[dreg:$0x0] =	wrdreg $0x60  }
0xbd: {  	[dreg:$0x2] =	wrdreg s24  }
0xbe: {  	[dreg:$0x3] =	wrdreg $0xA5000  }
0xbf: {  	[dreg:$0x4] =	wrdreg $0x9  }
0xc0: {  	_ =	task.clear_ibuf [dreg:s22], $0x5FFFF;
	_ =	strace $0x90000049  }
0xc1: {  	s29 =	simm.s32 $0x9;
	_ =	strace $0x8000004B  }
0xc2: {  	_ =	swait.ge [sflag:s29], $0x1  }
0xc3: {  	[sflag:s29] =	ssyncadd.s32 $0xFFFFFFFF  }
0xc4: {  	_ =	strace $0x9000004B  }
0xc5: {  	_ =	sfence  }
0xc6: {  	s30 =	sld [smem:$0x0];
	_ =	sdelay $0x2  }
0xc7: {  	s31 =	sshll.u32 s1, $0xD;
	s1 =	sshrl.u32 s1, $0x2  }
0xc8: {  	s4 =	sand.u32 $0x4000, s31;
	s1 =	sadd.s32 s1, s30  }
0xc9: {  	s0 =	sor.u32 s4, s0;
	s1 =	sshll.u32 s1, $0x11  }
0xca: {  	s0 =	sor.u32 s1, s0  }
0xcb: {  	s0 =	sadd.s32 $0x8F2B, s0  }
0xcc: {  	[sflag:s0] =	ssyncadd.remote.s32 $0x1  }
0xcd: {  	_ =	sfence.sel $0xFFFF  }
0xce: {  	[dreg:$0x0] =	wrdreg $0xFFFFFFFF;
	(pc) =	sbr.abs _section_cstart, $3  }
0xcf: {  	[dreg:$0x1] =	wrdreg $0xFFFFFFFF  }
0xd0: {  	_ =	task.clear_ibuf [dreg:s22], $0x2FFFF;
	_ =	strace $0x9FFFFFFF  }
0xd1: {  	(tm) =	ssettm $0x7FFFFFFF  }
tec
execute0_lowered:
.L_overlay_start_1:
0x0: {  	(tag) =	ssettag $0x1  }
0x1: {  	s0 =	rddreg [dreg:$0x0]  }
0x2: {  	s2 =	rddreg [dreg:$0x1];
	s3 =	simm.s32 $0x0;
	s12 =	stileid.u32  }
0x3: {  	s1 =	srdreg.scid;
	s28 =	simm.s32 $0x300;
	s29 =	simm.s32 $0x5500  }
0x4: {  	s30 =	simm.s32 $0x2;
	s31 =	simm.s32 $0x400;
	[smem:$0x7FF] =	sst s3  }
0x5: {  	s7 =	smul.u32 $0x2800, s12;
	s1 =	sand.u32 $0x1, s1;
	s4 =	sadd.s32 $0x20600, s0  }
0x6: {  	s5 =	sadd.s32 $0xC800, s0;
	s6 =	sadd.s32 $0x2A00, s0;
	s13 =	smul.u32 $0x50000, s12  }
0x7: {  	s10 =	sshll.u32 s12, $0x1;
	s16 =	sshll.u32 s12, $0x6;
	s17 =	smul.u32 $0x4E20, s12  }
0x8: {  	_ =	strace $0x8000004A;
	s8 =	smul.u32 $0x28000, s1;
	s14 =	ssub.s32 $0x2, s1  }
0x9: {  	s10 =	sor.u32 s1, s10;
	s1 =	smul.u32 $0x2710, s1;
	s9 =	sadd.s32 s7, s0  }
0xa: {  	s11 =	sshrl.u32 s14, $0x1;
	s10 =	smul.u32 $0x2710, s10;
	s7 =	sadd.s32 s7, s8  }
0xb: {  	s8 =	sshrl.u32 s13, $0x2;
	s15 =	sadd.s32 $0x48600, s9;
	s1 =	sadd.s32 s1, s17  }
0xc: {  	s0 =	sadd.s32 s7, s0;
	s7 =	ssub.s32 s14, s11;
	s20 =	sadd.s32 s8, s2  }
0xd: {  	[dreg:$0x3] =	wrdreg s15;
	s8 =	sor.u32 $0x1C03, s16;
	s10 =	sshrl.u32 s10, $0x3  }
0xe: {  	s25 =	sadd.s32 $0x1E0, s1;
	s18 =	sadd.s32 s5, s10;
	s19 =	sadd.s32 s6, s10  }
0xf: {  	s21 =	sadd.s32 $0x14, s10;
	s10 =	sadd.s32 $0x4D8, s10;
	s15 =	sadd.s32 $0x70600, s0  }
0x10: {  	s26 =	sshrl.u32 s25, $0x3;
	s16 =	smax.u32 s7, $0x1;
	s20 =	sshrl.u32 s20, $0x3  }
0x11: {  	s25 =	simm.s32 $0x1;
	s0 =	simm.s32 $0x480;
	[dreg:$0x4] =	wrdreg s18  }
0x12: {  	s7 =	simm.s32 $0x0;
	[dreg:$0x5] =	wrdreg s19;
	s22 =	sadd.s32 s5, s21  }
0x13: {  	s23 =	sadd.s32 s6, s21;
	s24 =	sadd.s32 s5, s10;
	s14 =	sadd.s32 s6, s10  }
0x14: {  	s17 =	sadd.s32 s26, s6;
	s18 =	sadd.s32 s26, s5;
	[dreg:$0x6] =	wrdreg s22  }
0x15: {  	s19 =	sadd.s32 $0x140, s1;
	s21 =	simm.s32 $0x3;
	[dreg:$0x7] =	wrdreg s23  }
0x16: {  	s26 =	simm.s32 $0x200;
	s1 =	simm.s32 $0x50;
	[dreg:$0x8] =	wrdreg s24  }
0x17: {  	s22 =	simm.s32 $0x100;
	s23 =	simm.s32 $0xA0;
	s24 =	simm.s32 $0x500  }
.LBB2_1:
0x18: {  	s9 =	rddreg [dreg:$0x3]  }
0x19: {  	[spmem:s20], [sflag:s8] =	dma.local [hbm:s9], $0x2800  }
0x1a: {  	_ =	swait.ge [sflag:s21], $0x2800  }
0x1b: {  	[sflag:s21] =	ssyncset.done $0x0  }
0x1c: {  	[sflag:s21] =	ssyncadd.s32 $0xFFFFD800  }
0x1d: {  	[bflag:$0x0] =	sbarrier.arrive $0xFFFF  }
0x1e: {  	s11 =	rddreg [dreg:$0x4]  }
0x1f: {  	[tilespmem:s3], [sflag:$0x3] =	stream.linear.gather [hbm4b:s11+s3], $0xA0, $0x38;
	[tilespmem:$0x1E500] =	vst v63  }
0x20: {  	_ =	swait.ge [sflag:s21], $0xA0  }
0x21: {  	[sflag:s21] =	ssyncset.done $0x0  }
0x22: {  	s12 =	rddreg [dreg:$0x5];
	[sflag:s21] =	ssyncadd.s32 $0xFFFFFF60  }
0x23: {  	[tilespmem:s22], [sflag:$0x3] =	stream.linear.gather [hbm4b:s12+s3], $0xA0, $0x38;
	[tilespmem:$0x1E500] =	vst v63  }
0x24: {  	_ =	swait.ge [sflag:s21], $0xA0  }
0x25: {  	[sflag:s21] =	ssyncset.done $0x0  }
0x26: {  	[sflag:s21] =	ssyncadd.s32 $0xFFFFFF60  }
0x27: {  	[tilespmem:s24], [sflag:$0x1] =	stream.indirect.gather [hbm4b:s4+s23], $0x80, s3, s23, $0xb8;
	[tilespmem:$0x1E500] =	vst v63  }
0x28: {  	_ =	swait.ge [sflag:s25], $0x5000  }
0x29: {  	[sflag:s25] =	ssyncset.done $0x0  }
0x2a: {  	[sflag:s25] =	ssyncadd.s32 $0xFFFFB000  }
0x2b: {  	[spmem:s2] =	stream.indirect.scatter.add.f32 [tilespmem:s24], [sflag:$0x2], $0x80, s22, s23, $0xb8;
	[tilespmem:$0x1E500] =	vst v63  }
0x2c: {  	s13 =	rddreg [dreg:$0x6]  }
0x2d: {  	[tilespmem:s26], [sflag:$0x3] =	stream.linear.gather [hbm4b:s13+s3], $0xA0, $0x38;
	[tilespmem:$0x1E500] =	vst v63  }
0x2e: {  	_ =	swait.ge [sflag:s21], $0xA0  }
0x2f: {  	[sflag:s21] =	ssyncset.done $0x0  }
0x30: {  	s10 =	rddreg [dreg:$0x7];
	[sflag:s21] =	ssyncadd.s32 $0xFFFFFF60  }
0x31: {  	[tilespmem:s28], [sflag:$0x3] =	stream.linear.gather [hbm4b:s10+s3], $0xA0, $0x38;
	[tilespmem:$0x1E500] =	vst v63  }
0x32: {  	_ =	swait.ge [sflag:s21], $0xA0  }
0x33: {  	[sflag:s21] =	ssyncset.done $0x0  }
0x34: {  	[sflag:s21] =	ssyncadd.s32 $0xFFFFFF60  }
0x35: {  	[tilespmem:s29], [sflag:$0x1] =	stream.indirect.gather [hbm4b:s4+s23], $0x80, s26, s23, $0xb8;
	[tilespmem:$0x1E500] =	vst v63  }
0x36: {  	_ =	swait.ge [sflag:s25], $0x5000  }
0x37: {  	[sflag:s25] =	ssyncset.done $0x0  }
0x38: {  	[sflag:s25] =	ssyncadd.s32 $0xFFFFB000  }
0x39: {  	[spmem:s2] =	stream.indirect.scatter.add.f32 [tilespmem:s29], [sflag:$0x2], $0x80, s28, s23, $0xb8;
	[tilespmem:$0x1E500] =	vst v63  }
0x3a: {  	_ =	swait.ge [sflag:s30], $0x5000  }
0x3b: {  	s11 =	sshrl.u32 s19, $0x3;
	[sflag:s30] =	ssyncset.done $0x0  }
0x3c: {  	s10 =	sadd.s32 s5, s11;
	[sflag:s30] =	ssyncadd.s32 $0xFFFFB000  }
0x3d: {  	[tilespmem:s3], [sflag:$0x3] =	stream.linear.gather [hbm4b:s10+s3], $0xA0, $0x38;
	[tilespmem:$0x1E500] =	vst v63  }
0x3e: {  	_ =	swait.ge [sflag:s21], $0xA0  }
0x3f: {  	[sflag:s21] =	ssyncset.done $0x0  }
0x40: {  	s9 =	sadd.s32 s6, s11;
	[sflag:s21] =	ssyncadd.s32 $0xFFFFFF60  }
0x41: {  	[tilespmem:s22], [sflag:$0x3] =	stream.linear.gather [hbm4b:s9+s3], $0xA0, $0x38;
	[tilespmem:$0x1E500] =	vst v63  }
0x42: {  	_ =	swait.ge [sflag:s21], $0xA0  }
0x43: {  	[sflag:s21] =	ssyncset.done $0x0  }
0x44: {  	[sflag:s21] =	ssyncadd.s32 $0xFFFFFF60  }
0x45: {  	[tilespmem:s24], [sflag:$0x1] =	stream.indirect.gather [hbm4b:s4+s23], $0x80, s3, s23, $0xb8;
	[tilespmem:$0x1E500] =	vst v63  }
0x46: {  	_ =	swait.ge [sflag:s25], $0x5000  }
0x47: {  	[sflag:s25] =	ssyncset.done $0x0  }
0x48: {  	[sflag:s25] =	ssyncadd.s32 $0xFFFFB000  }
0x49: {  	[spmem:s2] =	stream.indirect.scatter.add.f32 [tilespmem:s24], [sflag:$0x2], $0x80, s22, s23, $0xb8;
	[tilespmem:$0x1E500] =	vst v63  }
0x4a: {  	_ =	swait.ge [sflag:s30], $0x5000  }
0x4b: {  	[sflag:s30] =	ssyncset.done $0x0  }
0x4c: {  	s12 =	sadd.s32 $0x0, s18;
	[sflag:s30] =	ssyncadd.s32 $0xFFFFB000  }
0x4d: {  	[tilespmem:s26], [sflag:$0x3] =	stream.linear.gather [hbm4b:s12+s3], $0xA0, $0x38;
	[tilespmem:$0x1E500] =	vst v63  }
0x4e: {  	_ =	swait.ge [sflag:s21], $0xA0  }
0x4f: {  	[sflag:s21] =	ssyncset.done $0x0  }
0x50: {  	s13 =	sadd.s32 $0x0, s17;
	[sflag:s21] =	ssyncadd.s32 $0xFFFFFF60  }
0x51: {  	[tilespmem:s28], [sflag:$0x3] =	stream.linear.gather [hbm4b:s13+s3], $0xA0, $0x38;
	[tilespmem:$0x1E500] =	vst v63  }
0x52: {  	_ =	swait.ge [sflag:s21], $0xA0  }
0x53: {  	[sflag:s21] =	ssyncset.done $0x0  }
0x54: {  	[sflag:s21] =	ssyncadd.s32 $0xFFFFFF60  }
0x55: {  	[tilespmem:s29], [sflag:$0x1] =	stream.indirect.gather [hbm4b:s4+s23], $0x80, s26, s23, $0xb8;
	[tilespmem:$0x1E500] =	vst v63  }
0x56: {  	_ =	swait.ge [sflag:s25], $0x5000  }
0x57: {  	[sflag:s25] =	ssyncset.done $0x0  }
0x58: {  	s10 =	sadd.s32 $0x140, s19;
	s9 =	simm.s32 $0x28;
	[sflag:s25] =	ssyncadd.s32 $0xFFFFB000  }
.LBB2_2:
0x59: {  	[spmem:s2] =	stream.indirect.scatter.add.f32 [tilespmem:s29], [sflag:$0x2], $0x80, s28, s23, $0xb8;
	[tilespmem:$0x1E500] =	vst v63  }
0x5a: {  	s11 =	smov.u32 s9  }
0x5b: {  	p0 =	sne.s32 s9, $0x488;
	s9 =	sadd.s32 $0x28, s9;
	_ =	swait.ge [sflag:s30], $0x5000  }
0x5c: {  	s12 =	sshrl.u32 s10, $0x3;
	[sflag:s30] =	ssyncset.done $0x0  }
0x5d: {  	s13 =	sadd.s32 s5, s12;
	[sflag:s30] =	ssyncadd.s32 $0xFFFFB000  }
0x5e: {  	[tilespmem:s3], [sflag:$0x3] =	stream.linear.gather [hbm4b:s13+s3], $0xA0, $0x38;
	[tilespmem:$0x1E500] =	vst v63  }
0x5f: {  	_ =	swait.ge [sflag:s21], $0xA0  }
0x60: {  	[sflag:s21] =	ssyncset.done $0x0  }
0x61: {  	s12 =	sadd.s32 s6, s12;
	[sflag:s21] =	ssyncadd.s32 $0xFFFFFF60  }
0x62: {  	[tilespmem:s22], [sflag:$0x3] =	stream.linear.gather [hbm4b:s12+s3], $0xA0, $0x38;
	[tilespmem:$0x1E500] =	vst v63  }
0x63: {  	_ =	swait.ge [sflag:s21], $0xA0  }
0x64: {  	[sflag:s21] =	ssyncset.done $0x0  }
0x65: {  	[sflag:s21] =	ssyncadd.s32 $0xFFFFFF60  }
0x66: {  	[tilespmem:s24], [sflag:$0x1] =	stream.indirect.gather [hbm4b:s4+s23], $0x80, s3, s23, $0xb8;
	[tilespmem:$0x1E500] =	vst v63  }
0x67: {  	_ =	swait.ge [sflag:s25], $0x5000  }
0x68: {  	[sflag:s25] =	ssyncset.done $0x0  }
0x69: {  	[sflag:s25] =	ssyncadd.s32 $0xFFFFB000  }
0x6a: {  	[spmem:s2] =	stream.indirect.scatter.add.f32 [tilespmem:s24], [sflag:$0x2], $0x80, s22, s23, $0xb8;
	[tilespmem:$0x1E500] =	vst v63  }
0x6b: {  	_ =	swait.ge [sflag:s30], $0x5000  }
0x6c: {  	[sflag:s30] =	ssyncset.done $0x0  }
0x6d: {  	s12 =	sadd.s32 s11, s18;
	[sflag:s30] =	ssyncadd.s32 $0xFFFFB000  }
0x6e: {  	[tilespmem:s26], [sflag:$0x3] =	stream.linear.gather [hbm4b:s12+s3], $0xA0, $0x38;
	[tilespmem:$0x1E500] =	vst v63  }
0x6f: {  	_ =	swait.ge [sflag:s21], $0xA0  }
0x70: {  	[sflag:s21] =	ssyncset.done $0x0  }
0x71: {  	s11 =	sadd.s32 s11, s17;
	[sflag:s21] =	ssyncadd.s32 $0xFFFFFF60  }
0x72: {  	[tilespmem:s28], [sflag:$0x3] =	stream.linear.gather [hbm4b:s11+s3], $0xA0, $0x38;
	[tilespmem:$0x1E500] =	vst v63  }
0x73: {  	_ =	swait.ge [sflag:s21], $0xA0  }
0x74: {  	[sflag:s21] =	ssyncset.done $0x0  }
.Ltmp0:
0x75: {  	[sflag:s21] =	ssyncadd.s32 $0xFFFFFF60;
	(pc) =	sbr.rel @p0 .LBB2_2-.Ltmp0, $4  }
0x76: {  	[tilespmem:s29], [sflag:$0x1] =	stream.indirect.gather [hbm4b:s4+s23], $0x80, s26, s23, $0xb8;
	[tilespmem:$0x1E500] =	vst v63  }
0x77: {  	_ =	swait.ge [sflag:s25], $0x5000  }
0x78: {  	[sflag:s25] =	ssyncset.done $0x0  }
0x79: {  	s10 =	sadd.s32 $0x140, s10;
	[sflag:s25] =	ssyncadd.s32 $0xFFFFB000  }
0x7a: {  	[spmem:s2] =	stream.indirect.scatter.add.f32 [tilespmem:s29], [sflag:$0x2], $0x80, s28, s23, $0xb8;
	[tilespmem:$0x1E500] =	vst v63  }
0x7b: {  	_ =	swait.ge [sflag:s30], $0x5000  }
0x7c: {  	[sflag:s30] =	ssyncset.done $0x0  }
0x7d: {  	[sflag:s30] =	ssyncadd.s32 $0xFFFFB000  }
0x7e: {  	_ =	swait.ge [sflag:s30], $0x5000  }
0x7f: {  	[sflag:s30] =	ssyncset.done $0x0  }
0x80: {  	s9 =	rddreg [dreg:$0x8];
	[sflag:s30] =	ssyncadd.s32 $0xFFFFB000  }
0x81: {  	[tilespmem:s31], [sflag:$0x3] =	stream.linear.gather [hbm4b:s9+s3], $0x50, $0x38;
	[tilespmem:$0x1E500] =	vst v63  }
0x82: {  	_ =	swait.ge [sflag:s21], $0x50  }
0x83: {  	[sflag:s21] =	ssyncset.done $0x0  }
0x84: {  	[sflag:s21] =	ssyncadd.s32 $0xFFFFFFB0  }
0x85: {  	[tilespmem:s0], [sflag:$0x3] =	stream.linear.gather [hbm4b:s14+s3], $0x50, $0x38;
	[tilespmem:$0x1E500] =	vst v63  }
0x86: {  	_ =	swait.ge [sflag:s21], $0x50  }
0x87: {  	[sflag:s21] =	ssyncset.done $0x0  }
0x88: {  	[sflag:s21] =	ssyncadd.s32 $0xFFFFFFB0  }
0x89: {  	[tilespmem:s24], [sflag:$0x1] =	stream.indirect.gather [hbm4b:s4+s1], $0x80, s31, s1, $0xb8;
	[tilespmem:$0x1E500] =	vst v63  }
0x8a: {  	_ =	swait.ge [sflag:s25], $0x2800  }
0x8b: {  	[sflag:s25] =	ssyncset.done $0x0  }
0x8c: {  	[sflag:s25] =	ssyncadd.s32 $0xFFFFD800  }
0x8d: {  	[spmem:s2] =	stream.indirect.scatter.add.f32 [tilespmem:s24], [sflag:$0x3], $0x80, s0, s1, $0xb8;
	[tilespmem:$0x1E500] =	vst v63  }
0x8e: {  	_ =	swait.ge [sflag:s21], $0x2800  }
0x8f: {  	s7 =	sadd.s32 $0x1, s7;
	[sflag:s21] =	ssyncset.done $0x0  }
0x90: {  	p0 =	sne.s32 s7, s16;
	[sflag:s21] =	ssyncadd.s32 $0xFFFFD800  }
.Ltmp1:
0x91: {  	[bflag:$0x0] =	sbarrier.arrive $0xFFFF;
	(pc) =	sbr.rel @p0 .LBB2_1-.Ltmp1, $4  }
0x92: {  	[hbm:s15], [sflag:s8] =	dma.local [spmem:s20], $0x2800  }
0x93: {  	_ =	swait.ge [sflag:s21], $0x2800  }
0x94: {  	[sflag:s21] =	ssyncset.done $0x0  }
0x95: {  	[sflag:s21] =	ssyncadd.s32 $0xFFFFD800  }
0x96: {  	_ =	sfence.sel $0x180000  }
0x97: {  	[bflag:$0x0] =	sbarrier.arrive $0xFFFF  }
0x98: {  	_ =	strace $0x9000004A  }
0x99: {  	s0 =	stileid.u32;
	[bflag:$0x2] =	sbarrier.arrive $0xFFFF  }
0x9a: {  	p0 =	sne.s32 s0, $0x0;
	s0 =	rddreg [dreg:$0x2]  }
0x9b: {  	s0 =	sadd.s32 @!p0 $0x100000, s0  }
0x9c: {  	[sflag:s0] =	ssyncadd.tile.s32 @!p0 $0x1;
	_ =	shalt  }
.Lfunc_end2:
_tile_overlayer_lowered:
.L_overlay_start_2:
0x9d: {  	(tag) =	ssettag $0x2  }
0x9e: {  	s0 =	rddreg [dreg:$0x0];
	s2 =	stileid.u32  }
0x9f: {  	s1 =	rddreg [dreg:$0x1];
	p0 =	sne.s32 s2, $0x0  }
0xa0: {  	s3 =	rddreg [dreg:$0x2];
	[bflag:$0x3] =	sbarrier.arrive $0xFFFF;
	s2 =	simm.s32 @!p0 $0x1C03  }
0xa1: {  	[timem:s3], [sflag:s2] =	dma.local @!p0 [hbm:s0], s1  }
0xa2: {  	s0 =	simm.s32 @!p0 $0x3  }
0xa3: {  	_ =	swait.ge @!p0 [sflag:s0], s1  }
0xa4: {  	s1 =	ssub.s32 @!p0 $0x0, s1;
	[sflag:s0] =	ssyncset.done @!p0 $0x0  }
0xa5: {  	[sflag:s0] =	ssyncadd.s32 @!p0 s1  }
0xa6: {  	[bflag:$0x3] =	sbarrier.arrive $0xFFFF  }
0xa7: {  	_ =	shalt  }

</sc_bundles>
